<compile_context>
chip_gen: v7x
topology: tpu7x:2x2x1
jax: 0.10.2.dev20260603
libtpu: 0.0.44.dev20260713+nightly
codegen_flags: <defaults>
</compile_context>

<pallas_src>
import functools

import jax
import jax.numpy as jnp
from jax import lax
from jax.experimental import pallas as pl
from jax.experimental.pallas import tpu as pltpu
from jax.experimental.pallas import tpu_sc as plsc

_B, _P, _O, _D = 16384, 97, 13, 128
_NW = 32
_BPW = _B // _NW
_CH = 128
_NST = _BPW // _CH
_L = 16

_mesh = plsc.VectorSubcoreMesh(core_axis_name="c", subcore_axis_name="s")


@functools.partial(
    pl.kernel,
    mesh=_mesh,
    out_type=jax.ShapeDtypeStruct((_B, 4, _D), jnp.float32),
    scratch_types=[
        pltpu.VMEM((_BPW,), jnp.int32),
        pltpu.VMEM((_BPW,), jnp.int32),
        pltpu.VMEM((_BPW,), jnp.int32),
        pltpu.VMEM((_CH,), jnp.int32),
        pltpu.VMEM_SHARED((_P + _O, _D), jnp.float32),
        pltpu.VMEM((_CH, _D), jnp.float32),
        pltpu.VMEM((_CH, _D), jnp.float32),
        pltpu.VMEM((_CH, _D), jnp.float32),
        pltpu.VMEM((_CH, _D), jnp.float32),
        pltpu.VMEM((_CH, _D), jnp.float32),
        pltpu.VMEM((_CH, _D), jnp.float32),
        pltpu.VMEM((_CH, _D), jnp.float32),
        pltpu.SemaphoreType.DMA,
        pltpu.SemaphoreType.DMA,
        pltpu.SemaphoreType.DMA,
        pltpu.SemaphoreType.DMA,
        pltpu.SemaphoreType.DMA,
    ],
)
def _former(x_hbm, op_hbm, y_hbm, num_emb_hbm, op_emb_hbm, out_hbm,
            xv, ov, yv, eqi, table_v,
            bx0, bx1, bo0, bo1, by0, by1, beq,
            gs0, gs1, ws0, ws1, wse):
    sid = lax.axis_index("s")
    wid = sid * 2 + lax.axis_index("c")
    base = wid * _BPW
    pltpu.sync_copy(x_hbm.at[pl.ds(base, _BPW)], xv)
    pltpu.sync_copy(op_hbm.at[pl.ds(base, _BPW)], ov)
    pltpu.sync_copy(y_hbm.at[pl.ds(base, _BPW)], yv)
    @pl.when(sid == 0)
    def _stage_number_table():
        pltpu.sync_copy(num_emb_hbm, table_v.at[pl.ds(0, _P)])
    @pl.when(sid == 1)
    def _stage_op_table():
        pltpu.sync_copy(op_emb_hbm, table_v.at[pl.ds(_P, _O)])
    for j in range(_BPW // _L):
        ov[pl.ds(j * _L, _L)] = ov[pl.ds(j * _L, _L)] + _P
    for j in range(_CH // _L):
        eqi[pl.ds(j * _L, _L)] = jnp.full((_L,), _P, jnp.int32)
    plsc.subcore_barrier()

    pltpu.async_copy(table_v.at[eqi], beq, gs0).wait()

    bxs, bos, bys = (bx0, bx1), (bo0, bo1), (by0, by1)
    gsems = (gs0, gs1)
    wsems = (ws0, ws1)
    gd = [None] * _NST
    wd = [None] * _NST

    def _gathers(t):
        p = t % 2
        sl = pl.ds(t * _CH, _CH)
        gd[t] = (
            pltpu.async_copy(table_v.at[xv.at[sl]], bxs[p], gsems[p]),
            pltpu.async_copy(table_v.at[ov.at[sl]], bos[p], gsems[p]),
            pltpu.async_copy(table_v.at[yv.at[sl]], bys[p], gsems[p]),
        )

    def _writes(t):
        p = t % 2
        rows = pl.ds(base + t * _CH, _CH)
        wd[t] = (
            pltpu.async_copy(bxs[p], out_hbm.at[rows, 0], wsems[p]),
            pltpu.async_copy(bos[p], out_hbm.at[rows, 1], wsems[p]),
            pltpu.async_copy(bys[p], out_hbm.at[rows, 2], wsems[p]),
            pltpu.async_copy(beq, out_hbm.at[rows, 3], wse),
        )

    _gathers(0)
    for t in range(_NST):
        if t + 1 < _NST:
            if t >= 1:
                for d in wd[t - 1][:3]:
                    d.wait()
            _gathers(t + 1)
        for d in gd[t]:
            d.wait()
        _writes(t)
    for t in (_NST - 2, _NST - 1):
        for d in wd[t][:3]:
            d.wait()
    for t in range(_NST):
        wd[t][3].wait()


def kernel(x_idx, op_idx, y_idx, number_emb, op_emb):
    return _former(x_idx.astype(jnp.int32), op_idx.astype(jnp.int32),
                   y_idx.astype(jnp.int32), number_emb, op_emb)

# --- scband reference (transcript-rebuilt; emitter-appended) ---
"""Pipeline reference for scband-dataset-former-52338471469186 (READ-ONLY COPY).

The authoritative reference and input builder live on the scoring server;
editing this copy changes nothing except your own understanding.
"""

import jax, jax.numpy as jnp
import numpy as np

B = 16384
P = 97
O = 13
D = 128


def setup_inputs(seed: int = 0) -> dict:
    key = jax.random.key(seed)
    k1, k2, k3, k4, k5 = jax.random.split(key, 5)
    return {
        "x_idx": jax.random.randint(k1, (B,), 0, P),
        "op_idx": jax.random.randint(k2, (B,), 0, O),
        "y_idx": jax.random.randint(k3, (B,), 0, P),
        "number_emb": jax.random.normal(k4, (P, D), dtype=jnp.float32),
        "op_emb": jax.random.normal(k5, (O, D), dtype=jnp.float32),
    }


def reference(x_idx, op_idx, y_idx, number_emb, op_emb):
    # Batched equivalent of DatasetFormer.formData's per-example embedding lookups:
    # x -> number_emb(x), op -> op_emb(op), y -> number_emb(y), '=' -> op_emb(0)
    x_e = jnp.take(number_emb, x_idx, axis=0)
    op_e = jnp.take(op_emb, op_idx, axis=0)
    y_e = jnp.take(number_emb, y_idx, axis=0)
    eq_e = jnp.broadcast_to(op_emb[0][None, :], x_e.shape)
    # [B, 4, D] sequence: x, op, y, '='
    return jnp.stack([x_e, op_e, y_e, eq_e], axis=1)

if __name__ == "__main__":
    import jax
    _d = setup_inputs()
    print(jax.jit(kernel)(*tuple(_d.values())))

</pallas_src>

<mosaic_0001>
#map = affine_map<(d0, d1) -> (0)>
#map1 = affine_map<(d0, d1) -> (0, 0)>
#map2 = affine_map<(d0, d1) -> (0, 0, 0)>
module attributes {stable_mosaic.version = 14 : i64} {
  func.func @_former(%arg0: i32, %arg1: i32, %arg2: memref<16384xi32, #tpu.memory_space<hbm>>, %arg3: memref<16384xi32, #tpu.memory_space<hbm>>, %arg4: memref<16384xi32, #tpu.memory_space<hbm>>, %arg5: memref<97x128xf32, #tpu.memory_space<hbm>>, %arg6: memref<13x128xf32, #tpu.memory_space<hbm>>, %arg7: memref<16384x4x128xf32, #tpu.memory_space<hbm>>, %arg8: memref<512xi32, #tpu.memory_space<vmem>>, %arg9: memref<512xi32, #tpu.memory_space<vmem>>, %arg10: memref<512xi32, #tpu.memory_space<vmem>>, %arg11: memref<128xi32, #tpu.memory_space<vmem>>, %arg12: memref<110x128xf32, #tpu.memory_space<vmem_shared>>, %arg13: memref<128x128xf32, #tpu.memory_space<vmem>>, %arg14: memref<128x128xf32, #tpu.memory_space<vmem>>, %arg15: memref<128x128xf32, #tpu.memory_space<vmem>>, %arg16: memref<128x128xf32, #tpu.memory_space<vmem>>, %arg17: memref<128x128xf32, #tpu.memory_space<vmem>>, %arg18: memref<128x128xf32, #tpu.memory_space<vmem>>, %arg19: memref<128x128xf32, #tpu.memory_space<vmem>>, %arg20: memref<!tpu.dma_semaphore, #tpu.memory_space<semaphore_mem>>, %arg21: memref<!tpu.dma_semaphore, #tpu.memory_space<semaphore_mem>>, %arg22: memref<!tpu.dma_semaphore, #tpu.memory_space<semaphore_mem>>, %arg23: memref<!tpu.dma_semaphore, #tpu.memory_space<semaphore_mem>>, %arg24: memref<!tpu.dma_semaphore, #tpu.memory_space<semaphore_mem>>) attributes {dimension_semantics = [#tpu.dimension_semantics<core_parallel>, #tpu.dimension_semantics<subcore_parallel>], iteration_bounds = array<i64: 2, 16>, scalar_prefetch = 0 : i64, scratch_operands = 17 : i64, tpu.core_type = #tpu.core_type<sc_vector_subcore>, window_params = [{transform_indices = #map}, {transform_indices = #map}, {transform_indices = #map}, {transform_indices = #map1}, {transform_indices = #map1}, {transform_indices = #map2}]} {
    %mul3A = arith.constant 2 : i32
    %mul3A_0 = arith.muli %arg1, %mul3A : i32
    %add3A = arith.addi %mul3A_0, %arg0 : i32
    %mul3A_1 = arith.constant 512 : i32
    %mul3A_2 = arith.muli %add3A, %mul3A_1 : i32
    "tpu.region"() ({
      %run_scoped3A = tpu.sem_alloc : memref<!tpu.dma_semaphore, #tpu.memory_space<semaphore_mem>>
      %dma_start3A_731 = tpu.memref_slice %arg2[%mul3A_2] : memref<16384xi32, #tpu.memory_space<hbm>> -> memref<512xi32, #tpu.memory_space<hbm>>
      %dma_start3A_732 = tpu.memref_slice %arg2[%mul3A_2] : memref<16384xi32, #tpu.memory_space<hbm>> -> memref<512xi32, #tpu.memory_space<hbm>>
      tpu.enqueue_dma source(%dma_start3A_732 : memref<512xi32, #tpu.memory_space<hbm>>) target(%arg8 : memref<512xi32, #tpu.memory_space<vmem>>) target_semaphore(%run_scoped3A : memref<!tpu.dma_semaphore, #tpu.memory_space<semaphore_mem>>)
      %dma_wait3A_733 = tpu.memref_slice %arg2[%mul3A_2] : memref<16384xi32, #tpu.memory_space<hbm>> -> memref<512xi32, #tpu.memory_space<hbm>>
      %dma_wait3A_734 = tpu.memref_slice %arg2[%mul3A_2] : memref<16384xi32, #tpu.memory_space<hbm>> -> memref<512xi32, #tpu.memory_space<hbm>>
      tpu.wait_dma2 semaphore(%run_scoped3A : memref<!tpu.dma_semaphore, #tpu.memory_space<semaphore_mem>>) src(%dma_wait3A_734 : memref<512xi32, #tpu.memory_space<hbm>>) dst(%arg8 : memref<512xi32, #tpu.memory_space<vmem>>)
      tpu.yield
    }) : () -> ()
    "tpu.region"() ({
      %run_scoped3A = tpu.sem_alloc : memref<!tpu.dma_semaphore, #tpu.memory_space<semaphore_mem>>
      %dma_start3A_731 = tpu.memref_slice %arg3[%mul3A_2] : memref<16384xi32, #tpu.memory_space<hbm>> -> memref<512xi32, #tpu.memory_space<hbm>>
      %dma_start3A_732 = tpu.memref_slice %arg3[%mul3A_2] : memref<16384xi32, #tpu.memory_space<hbm>> -> memref<512xi32, #tpu.memory_space<hbm>>
      tpu.enqueue_dma source(%dma_start3A_732 : memref<512xi32, #tpu.memory_space<hbm>>) target(%arg9 : memref<512xi32, #tpu.memory_space<vmem>>) target_semaphore(%run_scoped3A : memref<!tpu.dma_semaphore, #tpu.memory_space<semaphore_mem>>)
      %dma_wait3A_733 = tpu.memref_slice %arg3[%mul3A_2] : memref<16384xi32, #tpu.memory_space<hbm>> -> memref<512xi32, #tpu.memory_space<hbm>>
      %dma_wait3A_734 = tpu.memref_slice %arg3[%mul3A_2] : memref<16384xi32, #tpu.memory_space<hbm>> -> memref<512xi32, #tpu.memory_space<hbm>>
      tpu.wait_dma2 semaphore(%run_scoped3A : memref<!tpu.dma_semaphore, #tpu.memory_space<semaphore_mem>>) src(%dma_wait3A_734 : memref<512xi32, #tpu.memory_space<hbm>>) dst(%arg9 : memref<512xi32, #tpu.memory_space<vmem>>)
      tpu.yield
    }) : () -> ()
    "tpu.region"() ({
      %run_scoped3A = tpu.sem_alloc : memref<!tpu.dma_semaphore, #tpu.memory_space<semaphore_mem>>
      %dma_start3A_731 = tpu.memref_slice %arg4[%mul3A_2] : memref<16384xi32, #tpu.memory_space<hbm>> -> memref<512xi32, #tpu.memory_space<hbm>>
      %dma_start3A_732 = tpu.memref_slice %arg4[%mul3A_2] : memref<16384xi32, #tpu.memory_space<hbm>> -> memref<512xi32, #tpu.memory_space<hbm>>
      tpu.enqueue_dma source(%dma_start3A_732 : memref<512xi32, #tpu.memory_space<hbm>>) target(%arg10 : memref<512xi32, #tpu.memory_space<vmem>>) target_semaphore(%run_scoped3A : memref<!tpu.dma_semaphore, #tpu.memory_space<semaphore_mem>>)
      %dma_wait3A_733 = tpu.memref_slice %arg4[%mul3A_2] : memref<16384xi32, #tpu.memory_space<hbm>> -> memref<512xi32, #tpu.memory_space<hbm>>
      %dma_wait3A_734 = tpu.memref_slice %arg4[%mul3A_2] : memref<16384xi32, #tpu.memory_space<hbm>> -> memref<512xi32, #tpu.memory_space<hbm>>
      tpu.wait_dma2 semaphore(%run_scoped3A : memref<!tpu.dma_semaphore, #tpu.memory_space<semaphore_mem>>) src(%dma_wait3A_734 : memref<512xi32, #tpu.memory_space<hbm>>) dst(%arg10 : memref<512xi32, #tpu.memory_space<vmem>>)
      tpu.yield
    }) : () -> ()
    %eq3A = arith.constant 0 : i32
    %eq3A_3 = arith.cmpi eq, %arg1, %eq3A : i32
    %convert_element_type3A = arith.extui %eq3A_3 : i1 to i32
    %cond3A = arith.constant 0 : i32
    %cond3A_4 = arith.cmpi ne, %convert_element_type3A, %cond3A : i32
    scf.if %cond3A_4 {
      "tpu.region"() ({
        %run_scoped3A = tpu.sem_alloc : memref<!tpu.dma_semaphore, #tpu.memory_space<semaphore_mem>>
        %dma_start3A_731 = arith.constant 0 : i32
        %dma_start3A_732 = arith.constant 0 : i32
        %dma_start3A_733 = tpu.memref_slice %arg12[%dma_start3A_731, %dma_start3A_732] : memref<110x128xf32, #tpu.memory_space<vmem_shared>> -> memref<97x128xf32, #tpu.memory_space<vmem_shared>>
        tpu.enqueue_dma source(%arg5 : memref<97x128xf32, #tpu.memory_space<hbm>>) target(%dma_start3A_733 : memref<97x128xf32, #tpu.memory_space<vmem_shared>>) target_semaphore(%run_scoped3A : memref<!tpu.dma_semaphore, #tpu.memory_space<semaphore_mem>>)
        %dma_wait3A_734 = arith.constant 0 : i32
        %dma_wait3A_735 = arith.constant 0 : i32
        %dma_wait3A_736 = tpu.memref_slice %arg12[%dma_wait3A_734, %dma_wait3A_735] : memref<110x128xf32, #tpu.memory_space<vmem_shared>> -> memref<97x128xf32, #tpu.memory_space<vmem_shared>>
        tpu.wait_dma2 semaphore(%run_scoped3A : memref<!tpu.dma_semaphore, #tpu.memory_space<semaphore_mem>>) src(%arg5 : memref<97x128xf32, #tpu.memory_space<hbm>>) dst(%dma_wait3A_736 : memref<97x128xf32, #tpu.memory_space<vmem_shared>>)
        tpu.yield
      }) : () -> ()
    } else {
    }
    %eq3A_5 = arith.constant 1 : i32
    %eq3A_6 = arith.cmpi eq, %arg1, %eq3A_5 : i32
    %convert_element_type3A_7 = arith.extui %eq3A_6 : i1 to i32
    %cond3A_8 = arith.constant 0 : i32
    %cond3A_9 = arith.cmpi ne, %convert_element_type3A_7, %cond3A_8 : i32
    scf.if %cond3A_9 {
      "tpu.region"() ({
        %run_scoped3A = tpu.sem_alloc : memref<!tpu.dma_semaphore, #tpu.memory_space<semaphore_mem>>
        %dma_start3A_731 = arith.constant 97 : i32
        %dma_start3A_732 = arith.constant 0 : i32
        %dma_start3A_733 = tpu.memref_slice %arg12[%dma_start3A_731, %dma_start3A_732] : memref<110x128xf32, #tpu.memory_space<vmem_shared>> -> memref<13x128xf32, #tpu.memory_space<vmem_shared>>
        tpu.enqueue_dma source(%arg6 : memref<13x128xf32, #tpu.memory_space<hbm>>) target(%dma_start3A_733 : memref<13x128xf32, #tpu.memory_space<vmem_shared>>) target_semaphore(%run_scoped3A : memref<!tpu.dma_semaphore, #tpu.memory_space<semaphore_mem>>)
        %dma_wait3A_734 = arith.constant 97 : i32
        %dma_wait3A_735 = arith.constant 0 : i32
        %dma_wait3A_736 = tpu.memref_slice %arg12[%dma_wait3A_734, %dma_wait3A_735] : memref<110x128xf32, #tpu.memory_space<vmem_shared>> -> memref<13x128xf32, #tpu.memory_space<vmem_shared>>
        tpu.wait_dma2 semaphore(%run_scoped3A : memref<!tpu.dma_semaphore, #tpu.memory_space<semaphore_mem>>) src(%arg6 : memref<13x128xf32, #tpu.memory_space<hbm>>) dst(%dma_wait3A_736 : memref<13x128xf32, #tpu.memory_space<vmem_shared>>)
        tpu.yield
      }) : () -> ()
    } else {
    }
    %get3A = arith.constant 0 : index
    %get3A_10 = tpu.vector_load %arg9[%get3A] {strides = array<i32>} : memref<512xi32, #tpu.memory_space<vmem>>, vector<16xi32>,
    %get3A_11 = vector.shape_cast %get3A_10 : vector<16xi32> to vector<16xi32>
    %add3A_12 = arith.constant 97 : i32
    %add3A_13 = vector.broadcast %add3A_12 : i32 to vector<16xi32>
    %add3A_14 = arith.addi %get3A_11, %add3A_13 : vector<16xi32>
    %swap3A = arith.constant 0 : index
    %swap3A_15 = tpu.vector_load %arg9[%swap3A] {strides = array<i32>} : memref<512xi32, #tpu.memory_space<vmem>>, vector<16xi32>,
    %swap3A_16 = vector.shape_cast %swap3A_15 : vector<16xi32> to vector<16xi32>
    %swap3A_17 = vector.shape_cast %add3A_14 : vector<16xi32> to vector<16xi32>
    tpu.vector_store %arg9[%swap3A], %swap3A_17 {strides = array<i32>} : memref<512xi32, #tpu.memory_space<vmem>>, vector<16xi32>,
    %get3A_18 = arith.constant 16 : index
    %get3A_19 = tpu.vector_load %arg9[%get3A_18] {strides = array<i32>} : memref<512xi32, #tpu.memory_space<vmem>>, vector<16xi32>,
    %get3A_20 = vector.shape_cast %get3A_19 : vector<16xi32> to vector<16xi32>
    %add3A_21 = arith.constant 97 : i32
    %add3A_22 = vector.broadcast %add3A_21 : i32 to vector<16xi32>
    %add3A_23 = arith.addi %get3A_20, %add3A_22 : vector<16xi32>
    %swap3A_24 = arith.constant 16 : index
    %swap3A_25 = tpu.vector_load %arg9[%swap3A_24] {strides = array<i32>} : memref<512xi32, #tpu.memory_space<vmem>>, vector<16xi32>,
    %swap3A_26 = vector.shape_cast %swap3A_25 : vector<16xi32> to vector<16xi32>
    %swap3A_27 = vector.shape_cast %add3A_23 : vector<16xi32> to vector<16xi32>
    tpu.vector_store %arg9[%swap3A_24], %swap3A_27 {strides = array<i32>} : memref<512xi32, #tpu.memory_space<vmem>>, vector<16xi32>,
    %get3A_28 = arith.constant 32 : index
    %get3A_29 = tpu.vector_load %arg9[%get3A_28] {strides = array<i32>} : memref<512xi32, #tpu.memory_space<vmem>>, vector<16xi32>,
    %get3A_30 = vector.shape_cast %get3A_29 : vector<16xi32> to vector<16xi32>
    %add3A_31 = arith.constant 97 : i32
    %add3A_32 = vector.broadcast %add3A_31 : i32 to vector<16xi32>
    %add3A_33 = arith.addi %get3A_30, %add3A_32 : vector<16xi32>
    %swap3A_34 = arith.constant 32 : index
    %swap3A_35 = tpu.vector_load %arg9[%swap3A_34] {strides = array<i32>} : memref<512xi32, #tpu.memory_space<vmem>>, vector<16xi32>,
    %swap3A_36 = vector.shape_cast %swap3A_35 : vector<16xi32> to vector<16xi32>
    %swap3A_37 = vector.shape_cast %add3A_33 : vector<16xi32> to vector<16xi32>
    tpu.vector_store %arg9[%swap3A_34], %swap3A_37 {strides = array<i32>} : memref<512xi32, #tpu.memory_space<vmem>>, vector<16xi32>,
    %get3A_38 = arith.constant 48 : index
    %get3A_39 = tpu.vector_load %arg9[%get3A_38] {strides = array<i32>} : memref<512xi32, #tpu.memory_space<vmem>>, vector<16xi32>,
    %get3A_40 = vector.shape_cast %get3A_39 : vector<16xi32> to vector<16xi32>
    %add3A_41 = arith.constant 97 : i32
    %add3A_42 = vector.broadcast %add3A_41 : i32 to vector<16xi32>
    %add3A_43 = arith.addi %get3A_40, %add3A_42 : vector<16xi32>
    %swap3A_44 = arith.constant 48 : index
    %swap3A_45 = tpu.vector_load %arg9[%swap3A_44] {strides = array<i32>} : memref<512xi32, #tpu.memory_space<vmem>>, vector<16xi32>,
    %swap3A_46 = vector.shape_cast %swap3A_45 : vector<16xi32> to vector<16xi32>
    %swap3A_47 = vector.shape_cast %add3A_43 : vector<16xi32> to vector<16xi32>
    tpu.vector_store %arg9[%swap3A_44], %swap3A_47 {strides = array<i32>} : memref<512xi32, #tpu.memory_space<vmem>>, vector<16xi32>,
    %get3A_48 = arith.constant 64 : index
    %get3A_49 = tpu.vector_load %arg9[%get3A_48] {strides = array<i32>} : memref<512xi32, #tpu.memory_space<vmem>>, vector<16xi32>,
    %get3A_50 = vector.shape_cast %get3A_49 : vector<16xi32> to vector<16xi32>
    %add3A_51 = arith.constant 97 : i32
    %add3A_52 = vector.broadcast %add3A_51 : i32 to vector<16xi32>
    %add3A_53 = arith.addi %get3A_50, %add3A_52 : vector<16xi32>
    %swap3A_54 = arith.constant 64 : index
    %swap3A_55 = tpu.vector_load %arg9[%swap3A_54] {strides = array<i32>} : memref<512xi32, #tpu.memory_space<vmem>>, vector<16xi32>,
    %swap3A_56 = vector.shape_cast %swap3A_55 : vector<16xi32> to vector<16xi32>
    %swap3A_57 = vector.shape_cast %add3A_53 : vector<16xi32> to vector<16xi32>
    tpu.vector_store %arg9[%swap3A_54], %swap3A_57 {strides = array<i32>} : memref<512xi32, #tpu.memory_space<vmem>>, vector<16xi32>,
    %get3A_58 = arith.constant 80 : index
    %get3A_59 = tpu.vector_load %arg9[%get3A_58] {strides = array<i32>} : memref<512xi32, #tpu.memory_space<vmem>>, vector<16xi32>,
    %get3A_60 = vector.shape_cast %get3A_59 : vector<16xi32> to vector<16xi32>
    %add3A_61 = arith.constant 97 : i32
    %add3A_62 = vector.broadcast %add3A_61 : i32 to vector<16xi32>
    %add3A_63 = arith.addi %get3A_60, %add3A_62 : vector<16xi32>
    %swap3A_64 = arith.constant 80 : index
    %swap3A_65 = tpu.vector_load %arg9[%swap3A_64] {strides = array<i32>} : memref<512xi32, #tpu.memory_space<vmem>>, vector<16xi32>,
    %swap3A_66 = vector.shape_cast %swap3A_65 : vector<16xi32> to vector<16xi32>
    %swap3A_67 = vector.shape_cast %add3A_63 : vector<16xi32> to vector<16xi32>
    tpu.vector_store %arg9[%swap3A_64], %swap3A_67 {strides = array<i32>} : memref<512xi32, #tpu.memory_space<vmem>>, vector<16xi32>,
    %get3A_68 = arith.constant 96 : index
    %get3A_69 = tpu.vector_load %arg9[%get3A_68] {strides = array<i32>} : memref<512xi32, #tpu.memory_space<vmem>>, vector<16xi32>,
    %get3A_70 = vector.shape_cast %get3A_69 : vector<16xi32> to vector<16xi32>
    %add3A_71 = arith.constant 97 : i32
    %add3A_72 = vector.broadcast %add3A_71 : i32 to vector<16xi32>
    %add3A_73 = arith.addi %get3A_70, %add3A_72 : vector<16xi32>
    %swap3A_74 = arith.constant 96 : index
    %swap3A_75 = tpu.vector_load %arg9[%swap3A_74] {strides = array<i32>} : memref<512xi32, #tpu.memory_space<vmem>>, vector<16xi32>,
    %swap3A_76 = vector.shape_cast %swap3A_75 : vector<16xi32> to vector<16xi32>
    %swap3A_77 = vector.shape_cast %add3A_73 : vector<16xi32> to vector<16xi32>
    tpu.vector_store %arg9[%swap3A_74], %swap3A_77 {strides = array<i32>} : memref<512xi32, #tpu.memory_space<vmem>>, vector<16xi32>,
    %get3A_78 = arith.constant 112 : index
    %get3A_79 = tpu.vector_load %arg9[%get3A_78] {strides = array<i32>} : memref<512xi32, #tpu.memory_space<vmem>>, vector<16xi32>,
    %get3A_80 = vector.shape_cast %get3A_79 : vector<16xi32> to vector<16xi32>
    %add3A_81 = arith.constant 97 : i32
    %add3A_82 = vector.broadcast %add3A_81 : i32 to vector<16xi32>
    %add3A_83 = arith.addi %get3A_80, %add3A_82 : vector<16xi32>
    %swap3A_84 = arith.constant 112 : index
    %swap3A_85 = tpu.vector_load %arg9[%swap3A_84] {strides = array<i32>} : memref<512xi32, #tpu.memory_space<vmem>>, vector<16xi32>,
    %swap3A_86 = vector.shape_cast %swap3A_85 : vector<16xi32> to vector<16xi32>
    %swap3A_87 = vector.shape_cast %add3A_83 : vector<16xi32> to vector<16xi32>
    tpu.vector_store %arg9[%swap3A_84], %swap3A_87 {strides = array<i32>} : memref<512xi32, #tpu.memory_space<vmem>>, vector<16xi32>,
    %get3A_88 = arith.constant 128 : index
    %get3A_89 = tpu.vector_load %arg9[%get3A_88] {strides = array<i32>} : memref<512xi32, #tpu.memory_space<vmem>>, vector<16xi32>,
    %get3A_90 = vector.shape_cast %get3A_89 : vector<16xi32> to vector<16xi32>
    %add3A_91 = arith.constant 97 : i32
    %add3A_92 = vector.broadcast %add3A_91 : i32 to vector<16xi32>
    %add3A_93 = arith.addi %get3A_90, %add3A_92 : vector<16xi32>
    %swap3A_94 = arith.constant 128 : index
    %swap3A_95 = tpu.vector_load %arg9[%swap3A_94] {strides = array<i32>} : memref<512xi32, #tpu.memory_space<vmem>>, vector<16xi32>,
    %swap3A_96 = vector.shape_cast %swap3A_95 : vector<16xi32> to vector<16xi32>
    %swap3A_97 = vector.shape_cast %add3A_93 : vector<16xi32> to vector<16xi32>
    tpu.vector_store %arg9[%swap3A_94], %swap3A_97 {strides = array<i32>} : memref<512xi32, #tpu.memory_space<vmem>>, vector<16xi32>,
    %get3A_98 = arith.constant 144 : index
    %get3A_99 = tpu.vector_load %arg9[%get3A_98] {strides = array<i32>} : memref<512xi32, #tpu.memory_space<vmem>>, vector<16xi32>,
    %get3A_100 = vector.shape_cast %get3A_99 : vector<16xi32> to vector<16xi32>
    %add3A_101 = arith.constant 97 : i32
    %add3A_102 = vector.broadcast %add3A_101 : i32 to vector<16xi32>
    %add3A_103 = arith.addi %get3A_100, %add3A_102 : vector<16xi32>
    %swap3A_104 = arith.constant 144 : index
    %swap3A_105 = tpu.vector_load %arg9[%swap3A_104] {strides = array<i32>} : memref<512xi32, #tpu.memory_space<vmem>>, vector<16xi32>,
    %swap3A_106 = vector.shape_cast %swap3A_105 : vector<16xi32> to vector<16xi32>
    %swap3A_107 = vector.shape_cast %add3A_103 : vector<16xi32> to vector<16xi32>
    tpu.vector_store %arg9[%swap3A_104], %swap3A_107 {strides = array<i32>} : memref<512xi32, #tpu.memory_space<vmem>>, vector<16xi32>,
    %get3A_108 = arith.constant 160 : index
    %get3A_109 = tpu.vector_load %arg9[%get3A_108] {strides = array<i32>} : memref<512xi32, #tpu.memory_space<vmem>>, vector<16xi32>,
    %get3A_110 = vector.shape_cast %get3A_109 : vector<16xi32> to vector<16xi32>
    %add3A_111 = arith.constant 97 : i32
    %add3A_112 = vector.broadcast %add3A_111 : i32 to vector<16xi32>
    %add3A_113 = arith.addi %get3A_110, %add3A_112 : vector<16xi32>
    %swap3A_114 = arith.constant 160 : index
    %swap3A_115 = tpu.vector_load %arg9[%swap3A_114] {strides = array<i32>} : memref<512xi32, #tpu.memory_space<vmem>>, vector<16xi32>,
    %swap3A_116 = vector.shape_cast %swap3A_115 : vector<16xi32> to vector<16xi32>
    %swap3A_117 = vector.shape_cast %add3A_113 : vector<16xi32> to vector<16xi32>
    tpu.vector_store %arg9[%swap3A_114], %swap3A_117 {strides = array<i32>} : memref<512xi32, #tpu.memory_space<vmem>>, vector<16xi32>,
    %get3A_118 = arith.constant 176 : index
    %get3A_119 = tpu.vector_load %arg9[%get3A_118] {strides = array<i32>} : memref<512xi32, #tpu.memory_space<vmem>>, vector<16xi32>,
    %get3A_120 = vector.shape_cast %get3A_119 : vector<16xi32> to vector<16xi32>
    %add3A_121 = arith.constant 97 : i32
    %add3A_122 = vector.broadcast %add3A_121 : i32 to vector<16xi32>
    %add3A_123 = arith.addi %get3A_120, %add3A_122 : vector<16xi32>
    %swap3A_124 = arith.constant 176 : index
    %swap3A_125 = tpu.vector_load %arg9[%swap3A_124] {strides = array<i32>} : memref<512xi32, #tpu.memory_space<vmem>>, vector<16xi32>,
    %swap3A_126 = vector.shape_cast %swap3A_125 : vector<16xi32> to vector<16xi32>
    %swap3A_127 = vector.shape_cast %add3A_123 : vector<16xi32> to vector<16xi32>
    tpu.vector_store %arg9[%swap3A_124], %swap3A_127 {strides = array<i32>} : memref<512xi32, #tpu.memory_space<vmem>>, vector<16xi32>,
    %get3A_128 = arith.constant 192 : index
    %get3A_129 = tpu.vector_load %arg9[%get3A_128] {strides = array<i32>} : memref<512xi32, #tpu.memory_space<vmem>>, vector<16xi32>,
    %get3A_130 = vector.shape_cast %get3A_129 : vector<16xi32> to vector<16xi32>
    %add3A_131 = arith.constant 97 : i32
    %add3A_132 = vector.broadcast %add3A_131 : i32 to vector<16xi32>
    %add3A_133 = arith.addi %get3A_130, %add3A_132 : vector<16xi32>
    %swap3A_134 = arith.constant 192 : index
    %swap3A_135 = tpu.vector_load %arg9[%swap3A_134] {strides = array<i32>} : memref<512xi32, #tpu.memory_space<vmem>>, vector<16xi32>,
    %swap3A_136 = vector.shape_cast %swap3A_135 : vector<16xi32> to vector<16xi32>
    %swap3A_137 = vector.shape_cast %add3A_133 : vector<16xi32> to vector<16xi32>
    tpu.vector_store %arg9[%swap3A_134], %swap3A_137 {strides = array<i32>} : memref<512xi32, #tpu.memory_space<vmem>>, vector<16xi32>,
    %get3A_138 = arith.constant 208 : index
    %get3A_139 = tpu.vector_load %arg9[%get3A_138] {strides = array<i32>} : memref<512xi32, #tpu.memory_space<vmem>>, vector<16xi32>,
    %get3A_140 = vector.shape_cast %get3A_139 : vector<16xi32> to vector<16xi32>
    %add3A_141 = arith.constant 97 : i32
    %add3A_142 = vector.broadcast %add3A_141 : i32 to vector<16xi32>
    %add3A_143 = arith.addi %get3A_140, %add3A_142 : vector<16xi32>
    %swap3A_144 = arith.constant 208 : index
    %swap3A_145 = tpu.vector_load %arg9[%swap3A_144] {strides = array<i32>} : memref<512xi32, #tpu.memory_space<vmem>>, vector<16xi32>,
    %swap3A_146 = vector.shape_cast %swap3A_145 : vector<16xi32> to vector<16xi32>
    %swap3A_147 = vector.shape_cast %add3A_143 : vector<16xi32> to vector<16xi32>
    tpu.vector_store %arg9[%swap3A_144], %swap3A_147 {strides = array<i32>} : memref<512xi32, #tpu.memory_space<vmem>>, vector<16xi32>,
    %get3A_148 = arith.constant 224 : index
    %get3A_149 = tpu.vector_load %arg9[%get3A_148] {strides = array<i32>} : memref<512xi32, #tpu.memory_space<vmem>>, vector<16xi32>,
    %get3A_150 = vector.shape_cast %get3A_149 : vector<16xi32> to vector<16xi32>
    %add3A_151 = arith.constant 97 : i32
    %add3A_152 = vector.broadcast %add3A_151 : i32 to vector<16xi32>
    %add3A_153 = arith.addi %get3A_150, %add3A_152 : vector<16xi32>
    %swap3A_154 = arith.constant 224 : index
    %swap3A_155 = tpu.vector_load %arg9[%swap3A_154] {strides = array<i32>} : memref<512xi32, #tpu.memory_space<vmem>>, vector<16xi32>,
    %swap3A_156 = vector.shape_cast %swap3A_155 : vector<16xi32> to vector<16xi32>
    %swap3A_157 = vector.shape_cast %add3A_153 : vector<16xi32> to vector<16xi32>
    tpu.vector_store %arg9[%swap3A_154], %swap3A_157 {strides = array<i32>} : memref<512xi32, #tpu.memory_space<vmem>>, vector<16xi32>,
    %get3A_158 = arith.constant 240 : index
    %get3A_159 = tpu.vector_load %arg9[%get3A_158] {strides = array<i32>} : memref<512xi32, #tpu.memory_space<vmem>>, vector<16xi32>,
    %get3A_160 = vector.shape_cast %get3A_159 : vector<16xi32> to vector<16xi32>
    %add3A_161 = arith.constant 97 : i32
    %add3A_162 = vector.broadcast %add3A_161 : i32 to vector<16xi32>
    %add3A_163 = arith.addi %get3A_160, %add3A_162 : vector<16xi32>
    %swap3A_164 = arith.constant 240 : index
    %swap3A_165 = tpu.vector_load %arg9[%swap3A_164] {strides = array<i32>} : memref<512xi32, #tpu.memory_space<vmem>>, vector<16xi32>,
    %swap3A_166 = vector.shape_cast %swap3A_165 : vector<16xi32> to vector<16xi32>
    %swap3A_167 = vector.shape_cast %add3A_163 : vector<16xi32> to vector<16xi32>
    tpu.vector_store %arg9[%swap3A_164], %swap3A_167 {strides = array<i32>} : memref<512xi32, #tpu.memory_space<vmem>>, vector<16xi32>,
    %get3A_168 = arith.constant 256 : index
    %get3A_169 = tpu.vector_load %arg9[%get3A_168] {strides = array<i32>} : memref<512xi32, #tpu.memory_space<vmem>>, vector<16xi32>,
    %get3A_170 = vector.shape_cast %get3A_169 : vector<16xi32> to vector<16xi32>
    %add3A_171 = arith.constant 97 : i32
    %add3A_172 = vector.broadcast %add3A_171 : i32 to vector<16xi32>
    %add3A_173 = arith.addi %get3A_170, %add3A_172 : vector<16xi32>
    %swap3A_174 = arith.constant 256 : index
    %swap3A_175 = tpu.vector_load %arg9[%swap3A_174] {strides = array<i32>} : memref<512xi32, #tpu.memory_space<vmem>>, vector<16xi32>,
    %swap3A_176 = vector.shape_cast %swap3A_175 : vector<16xi32> to vector<16xi32>
    %swap3A_177 = vector.shape_cast %add3A_173 : vector<16xi32> to vector<16xi32>
    tpu.vector_store %arg9[%swap3A_174], %swap3A_177 {strides = array<i32>} : memref<512xi32, #tpu.memory_space<vmem>>, vector<16xi32>,
    %get3A_178 = arith.constant 272 : index
    %get3A_179 = tpu.vector_load %arg9[%get3A_178] {strides = array<i32>} : memref<512xi32, #tpu.memory_space<vmem>>, vector<16xi32>,
    %get3A_180 = vector.shape_cast %get3A_179 : vector<16xi32> to vector<16xi32>
    %add3A_181 = arith.constant 97 : i32
    %add3A_182 = vector.broadcast %add3A_181 : i32 to vector<16xi32>
    %add3A_183 = arith.addi %get3A_180, %add3A_182 : vector<16xi32>
    %swap3A_184 = arith.constant 272 : index
    %swap3A_185 = tpu.vector_load %arg9[%swap3A_184] {strides = array<i32>} : memref<512xi32, #tpu.memory_space<vmem>>, vector<16xi32>,
    %swap3A_186 = vector.shape_cast %swap3A_185 : vector<16xi32> to vector<16xi32>
    %swap3A_187 = vector.shape_cast %add3A_183 : vector<16xi32> to vector<16xi32>
    tpu.vector_store %arg9[%swap3A_184], %swap3A_187 {strides = array<i32>} : memref<512xi32, #tpu.memory_space<vmem>>, vector<16xi32>,
    %get3A_188 = arith.constant 288 : index
    %get3A_189 = tpu.vector_load %arg9[%get3A_188] {strides = array<i32>} : memref<512xi32, #tpu.memory_space<vmem>>, vector<16xi32>,
    %get3A_190 = vector.shape_cast %get3A_189 : vector<16xi32> to vector<16xi32>
    %add3A_191 = arith.constant 97 : i32
    %add3A_192 = vector.broadcast %add3A_191 : i32 to vector<16xi32>
    %add3A_193 = arith.addi %get3A_190, %add3A_192 : vector<16xi32>
    %swap3A_194 = arith.constant 288 : index
    %swap3A_195 = tpu.vector_load %arg9[%swap3A_194] {strides = array<i32>} : memref<512xi32, #tpu.memory_space<vmem>>, vector<16xi32>,
    %swap3A_196 = vector.shape_cast %swap3A_195 : vector<16xi32> to vector<16xi32>
    %swap3A_197 = vector.shape_cast %add3A_193 : vector<16xi32> to vector<16xi32>
    tpu.vector_store %arg9[%swap3A_194], %swap3A_197 {strides = array<i32>} : memref<512xi32, #tpu.memory_space<vmem>>, vector<16xi32>,
    %get3A_198 = arith.constant 304 : index
    %get3A_199 = tpu.vector_load %arg9[%get3A_198] {strides = array<i32>} : memref<512xi32, #tpu.memory_space<vmem>>, vector<16xi32>,
    %get3A_200 = vector.shape_cast %get3A_199 : vector<16xi32> to vector<16xi32>
    %add3A_201 = arith.constant 97 : i32
    %add3A_202 = vector.broadcast %add3A_201 : i32 to vector<16xi32>
    %add3A_203 = arith.addi %get3A_200, %add3A_202 : vector<16xi32>
    %swap3A_204 = arith.constant 304 : index
    %swap3A_205 = tpu.vector_load %arg9[%swap3A_204] {strides = array<i32>} : memref<512xi32, #tpu.memory_space<vmem>>, vector<16xi32>,
    %swap3A_206 = vector.shape_cast %swap3A_205 : vector<16xi32> to vector<16xi32>
    %swap3A_207 = vector.shape_cast %add3A_203 : vector<16xi32> to vector<16xi32>
    tpu.vector_store %arg9[%swap3A_204], %swap3A_207 {strides = array<i32>} : memref<512xi32, #tpu.memory_space<vmem>>, vector<16xi32>,
    %get3A_208 = arith.constant 320 : index
    %get3A_209 = tpu.vector_load %arg9[%get3A_208] {strides = array<i32>} : memref<512xi32, #tpu.memory_space<vmem>>, vector<16xi32>,
    %get3A_210 = vector.shape_cast %get3A_209 : vector<16xi32> to vector<16xi32>
    %add3A_211 = arith.constant 97 : i32
    %add3A_212 = vector.broadcast %add3A_211 : i32 to vector<16xi32>
    %add3A_213 = arith.addi %get3A_210, %add3A_212 : vector<16xi32>
    %swap3A_214 = arith.constant 320 : index
    %swap3A_215 = tpu.vector_load %arg9[%swap3A_214] {strides = array<i32>} : memref<512xi32, #tpu.memory_space<vmem>>, vector<16xi32>,
    %swap3A_216 = vector.shape_cast %swap3A_215 : vector<16xi32> to vector<16xi32>
    %swap3A_217 = vector.shape_cast %add3A_213 : vector<16xi32> to vector<16xi32>
    tpu.vector_store %arg9[%swap3A_214], %swap3A_217 {strides = array<i32>} : memref<512xi32, #tpu.memory_space<vmem>>, vector<16xi32>,
    %get3A_218 = arith.constant 336 : index
    %get3A_219 = tpu.vector_load %arg9[%get3A_218] {strides = array<i32>} : memref<512xi32, #tpu.memory_space<vmem>>, vector<16xi32>,
    %get3A_220 = vector.shape_cast %get3A_219 : vector<16xi32> to vector<16xi32>
    %add3A_221 = arith.constant 97 : i32
    %add3A_222 = vector.broadcast %add3A_221 : i32 to vector<16xi32>
    %add3A_223 = arith.addi %get3A_220, %add3A_222 : vector<16xi32>
    %swap3A_224 = arith.constant 336 : index
    %swap3A_225 = tpu.vector_load %arg9[%swap3A_224] {strides = array<i32>} : memref<512xi32, #tpu.memory_space<vmem>>, vector<16xi32>,
    %swap3A_226 = vector.shape_cast %swap3A_225 : vector<16xi32> to vector<16xi32>
    %swap3A_227 = vector.shape_cast %add3A_223 : vector<16xi32> to vector<16xi32>
    tpu.vector_store %arg9[%swap3A_224], %swap3A_227 {strides = array<i32>} : memref<512xi32, #tpu.memory_space<vmem>>, vector<16xi32>,
    %get3A_228 = arith.constant 352 : index
    %get3A_229 = tpu.vector_load %arg9[%get3A_228] {strides = array<i32>} : memref<512xi32, #tpu.memory_space<vmem>>, vector<16xi32>,
    %get3A_230 = vector.shape_cast %get3A_229 : vector<16xi32> to vector<16xi32>
    %add3A_231 = arith.constant 97 : i32
    %add3A_232 = vector.broadcast %add3A_231 : i32 to vector<16xi32>
    %add3A_233 = arith.addi %get3A_230, %add3A_232 : vector<16xi32>
    %swap3A_234 = arith.constant 352 : index
    %swap3A_235 = tpu.vector_load %arg9[%swap3A_234] {strides = array<i32>} : memref<512xi32, #tpu.memory_space<vmem>>, vector<16xi32>,
    %swap3A_236 = vector.shape_cast %swap3A_235 : vector<16xi32> to vector<16xi32>
    %swap3A_237 = vector.shape_cast %add3A_233 : vector<16xi32> to vector<16xi32>
    tpu.vector_store %arg9[%swap3A_234], %swap3A_237 {strides = array<i32>} : memref<512xi32, #tpu.memory_space<vmem>>, vector<16xi32>,
    %get3A_238 = arith.constant 368 : index
    %get3A_239 = tpu.vector_load %arg9[%get3A_238] {strides = array<i32>} : memref<512xi32, #tpu.memory_space<vmem>>, vector<16xi32>,
    %get3A_240 = vector.shape_cast %get3A_239 : vector<16xi32> to vector<16xi32>
    %add3A_241 = arith.constant 97 : i32
    %add3A_242 = vector.broadcast %add3A_241 : i32 to vector<16xi32>
    %add3A_243 = arith.addi %get3A_240, %add3A_242 : vector<16xi32>
    %swap3A_244 = arith.constant 368 : index
    %swap3A_245 = tpu.vector_load %arg9[%swap3A_244] {strides = array<i32>} : memref<512xi32, #tpu.memory_space<vmem>>, vector<16xi32>,
    %swap3A_246 = vector.shape_cast %swap3A_245 : vector<16xi32> to vector<16xi32>
    %swap3A_247 = vector.shape_cast %add3A_243 : vector<16xi32> to vector<16xi32>
    tpu.vector_store %arg9[%swap3A_244], %swap3A_247 {strides = array<i32>} : memref<512xi32, #tpu.memory_space<vmem>>, vector<16xi32>,
    %get3A_248 = arith.constant 384 : index
    %get3A_249 = tpu.vector_load %arg9[%get3A_248] {strides = array<i32>} : memref<512xi32, #tpu.memory_space<vmem>>, vector<16xi32>,
    %get3A_250 = vector.shape_cast %get3A_249 : vector<16xi32> to vector<16xi32>
    %add3A_251 = arith.constant 97 : i32
    %add3A_252 = vector.broadcast %add3A_251 : i32 to vector<16xi32>
    %add3A_253 = arith.addi %get3A_250, %add3A_252 : vector<16xi32>
    %swap3A_254 = arith.constant 384 : index
    %swap3A_255 = tpu.vector_load %arg9[%swap3A_254] {strides = array<i32>} : memref<512xi32, #tpu.memory_space<vmem>>, vector<16xi32>,
    %swap3A_256 = vector.shape_cast %swap3A_255 : vector<16xi32> to vector<16xi32>
    %swap3A_257 = vector.shape_cast %add3A_253 : vector<16xi32> to vector<16xi32>
    tpu.vector_store %arg9[%swap3A_254], %swap3A_257 {strides = array<i32>} : memref<512xi32, #tpu.memory_space<vmem>>, vector<16xi32>,
    %get3A_258 = arith.constant 400 : index
    %get3A_259 = tpu.vector_load %arg9[%get3A_258] {strides = array<i32>} : memref<512xi32, #tpu.memory_space<vmem>>, vector<16xi32>,
    %get3A_260 = vector.shape_cast %get3A_259 : vector<16xi32> to vector<16xi32>
    %add3A_261 = arith.constant 97 : i32
    %add3A_262 = vector.broadcast %add3A_261 : i32 to vector<16xi32>
    %add3A_263 = arith.addi %get3A_260, %add3A_262 : vector<16xi32>
    %swap3A_264 = arith.constant 400 : index
    %swap3A_265 = tpu.vector_load %arg9[%swap3A_264] {strides = array<i32>} : memref<512xi32, #tpu.memory_space<vmem>>, vector<16xi32>,
    %swap3A_266 = vector.shape_cast %swap3A_265 : vector<16xi32> to vector<16xi32>
    %swap3A_267 = vector.shape_cast %add3A_263 : vector<16xi32> to vector<16xi32>
    tpu.vector_store %arg9[%swap3A_264], %swap3A_267 {strides = array<i32>} : memref<512xi32, #tpu.memory_space<vmem>>, vector<16xi32>,
    %get3A_268 = arith.constant 416 : index
    %get3A_269 = tpu.vector_load %arg9[%get3A_268] {strides = array<i32>} : memref<512xi32, #tpu.memory_space<vmem>>, vector<16xi32>,
    %get3A_270 = vector.shape_cast %get3A_269 : vector<16xi32> to vector<16xi32>
    %add3A_271 = arith.constant 97 : i32
    %add3A_272 = vector.broadcast %add3A_271 : i32 to vector<16xi32>
    %add3A_273 = arith.addi %get3A_270, %add3A_272 : vector<16xi32>
    %swap3A_274 = arith.constant 416 : index
    %swap3A_275 = tpu.vector_load %arg9[%swap3A_274] {strides = array<i32>} : memref<512xi32, #tpu.memory_space<vmem>>, vector<16xi32>,
    %swap3A_276 = vector.shape_cast %swap3A_275 : vector<16xi32> to vector<16xi32>
    %swap3A_277 = vector.shape_cast %add3A_273 : vector<16xi32> to vector<16xi32>
    tpu.vector_store %arg9[%swap3A_274], %swap3A_277 {strides = array<i32>} : memref<512xi32, #tpu.memory_space<vmem>>, vector<16xi32>,
    %get3A_278 = arith.constant 432 : index
    %get3A_279 = tpu.vector_load %arg9[%get3A_278] {strides = array<i32>} : memref<512xi32, #tpu.memory_space<vmem>>, vector<16xi32>,
    %get3A_280 = vector.shape_cast %get3A_279 : vector<16xi32> to vector<16xi32>
    %add3A_281 = arith.constant 97 : i32
    %add3A_282 = vector.broadcast %add3A_281 : i32 to vector<16xi32>
    %add3A_283 = arith.addi %get3A_280, %add3A_282 : vector<16xi32>
    %swap3A_284 = arith.constant 432 : index
    %swap3A_285 = tpu.vector_load %arg9[%swap3A_284] {strides = array<i32>} : memref<512xi32, #tpu.memory_space<vmem>>, vector<16xi32>,
    %swap3A_286 = vector.shape_cast %swap3A_285 : vector<16xi32> to vector<16xi32>
    %swap3A_287 = vector.shape_cast %add3A_283 : vector<16xi32> to vector<16xi32>
    tpu.vector_store %arg9[%swap3A_284], %swap3A_287 {strides = array<i32>} : memref<512xi32, #tpu.memory_space<vmem>>, vector<16xi32>,
    %get3A_288 = arith.constant 448 : index
    %get3A_289 = tpu.vector_load %arg9[%get3A_288] {strides = array<i32>} : memref<512xi32, #tpu.memory_space<vmem>>, vector<16xi32>,
    %get3A_290 = vector.shape_cast %get3A_289 : vector<16xi32> to vector<16xi32>
    %add3A_291 = arith.constant 97 : i32
    %add3A_292 = vector.broadcast %add3A_291 : i32 to vector<16xi32>
    %add3A_293 = arith.addi %get3A_290, %add3A_292 : vector<16xi32>
    %swap3A_294 = arith.constant 448 : index
    %swap3A_295 = tpu.vector_load %arg9[%swap3A_294] {strides = array<i32>} : memref<512xi32, #tpu.memory_space<vmem>>, vector<16xi32>,
    %swap3A_296 = vector.shape_cast %swap3A_295 : vector<16xi32> to vector<16xi32>
    %swap3A_297 = vector.shape_cast %add3A_293 : vector<16xi32> to vector<16xi32>
    tpu.vector_store %arg9[%swap3A_294], %swap3A_297 {strides = array<i32>} : memref<512xi32, #tpu.memory_space<vmem>>, vector<16xi32>,
    %get3A_298 = arith.constant 464 : index
    %get3A_299 = tpu.vector_load %arg9[%get3A_298] {strides = array<i32>} : memref<512xi32, #tpu.memory_space<vmem>>, vector<16xi32>,
    %get3A_300 = vector.shape_cast %get3A_299 : vector<16xi32> to vector<16xi32>
    %add3A_301 = arith.constant 97 : i32
    %add3A_302 = vector.broadcast %add3A_301 : i32 to vector<16xi32>
    %add3A_303 = arith.addi %get3A_300, %add3A_302 : vector<16xi32>
    %swap3A_304 = arith.constant 464 : index
    %swap3A_305 = tpu.vector_load %arg9[%swap3A_304] {strides = array<i32>} : memref<512xi32, #tpu.memory_space<vmem>>, vector<16xi32>,
    %swap3A_306 = vector.shape_cast %swap3A_305 : vector<16xi32> to vector<16xi32>
    %swap3A_307 = vector.shape_cast %add3A_303 : vector<16xi32> to vector<16xi32>
    tpu.vector_store %arg9[%swap3A_304], %swap3A_307 {strides = array<i32>} : memref<512xi32, #tpu.memory_space<vmem>>, vector<16xi32>,
    %get3A_308 = arith.constant 480 : index
    %get3A_309 = tpu.vector_load %arg9[%get3A_308] {strides = array<i32>} : memref<512xi32, #tpu.memory_space<vmem>>, vector<16xi32>,
    %get3A_310 = vector.shape_cast %get3A_309 : vector<16xi32> to vector<16xi32>
    %add3A_311 = arith.constant 97 : i32
    %add3A_312 = vector.broadcast %add3A_311 : i32 to vector<16xi32>
    %add3A_313 = arith.addi %get3A_310, %add3A_312 : vector<16xi32>
    %swap3A_314 = arith.constant 480 : index
    %swap3A_315 = tpu.vector_load %arg9[%swap3A_314] {strides = array<i32>} : memref<512xi32, #tpu.memory_space<vmem>>, vector<16xi32>,
    %swap3A_316 = vector.shape_cast %swap3A_315 : vector<16xi32> to vector<16xi32>
    %swap3A_317 = vector.shape_cast %add3A_313 : vector<16xi32> to vector<16xi32>
    tpu.vector_store %arg9[%swap3A_314], %swap3A_317 {strides = array<i32>} : memref<512xi32, #tpu.memory_space<vmem>>, vector<16xi32>,
    %get3A_318 = arith.constant 496 : index
    %get3A_319 = tpu.vector_load %arg9[%get3A_318] {strides = array<i32>} : memref<512xi32, #tpu.memory_space<vmem>>, vector<16xi32>,
    %get3A_320 = vector.shape_cast %get3A_319 : vector<16xi32> to vector<16xi32>
    %add3A_321 = arith.constant 97 : i32
    %add3A_322 = vector.broadcast %add3A_321 : i32 to vector<16xi32>
    %add3A_323 = arith.addi %get3A_320, %add3A_322 : vector<16xi32>
    %swap3A_324 = arith.constant 496 : index
    %swap3A_325 = tpu.vector_load %arg9[%swap3A_324] {strides = array<i32>} : memref<512xi32, #tpu.memory_space<vmem>>, vector<16xi32>,
    %swap3A_326 = vector.shape_cast %swap3A_325 : vector<16xi32> to vector<16xi32>
    %swap3A_327 = vector.shape_cast %add3A_323 : vector<16xi32> to vector<16xi32>
    tpu.vector_store %arg9[%swap3A_324], %swap3A_327 {strides = array<i32>} : memref<512xi32, #tpu.memory_space<vmem>>, vector<16xi32>,
    %broadcast_in_dim3A = arith.constant 97 : i32
    %broadcast_in_dim3A_328 = vector.broadcast %broadcast_in_dim3A : i32 to vector<16xi32>
    %swap3A_329 = arith.constant 0 : index
    %swap3A_330 = tpu.vector_load %arg11[%swap3A_329] {strides = array<i32>} : memref<128xi32, #tpu.memory_space<vmem>>, vector<16xi32>,
    %swap3A_331 = vector.shape_cast %swap3A_330 : vector<16xi32> to vector<16xi32>
    %swap3A_332 = vector.shape_cast %broadcast_in_dim3A_328 : vector<16xi32> to vector<16xi32>
    tpu.vector_store %arg11[%swap3A_329], %swap3A_332 {strides = array<i32>} : memref<128xi32, #tpu.memory_space<vmem>>, vector<16xi32>,
    %broadcast_in_dim3A_333 = arith.constant 97 : i32
    %broadcast_in_dim3A_334 = vector.broadcast %broadcast_in_dim3A_333 : i32 to vector<16xi32>
    %swap3A_335 = arith.constant 16 : index
    %swap3A_336 = tpu.vector_load %arg11[%swap3A_335] {strides = array<i32>} : memref<128xi32, #tpu.memory_space<vmem>>, vector<16xi32>,
    %swap3A_337 = vector.shape_cast %swap3A_336 : vector<16xi32> to vector<16xi32>
    %swap3A_338 = vector.shape_cast %broadcast_in_dim3A_334 : vector<16xi32> to vector<16xi32>
    tpu.vector_store %arg11[%swap3A_335], %swap3A_338 {strides = array<i32>} : memref<128xi32, #tpu.memory_space<vmem>>, vector<16xi32>,
    %broadcast_in_dim3A_339 = arith.constant 97 : i32
    %broadcast_in_dim3A_340 = vector.broadcast %broadcast_in_dim3A_339 : i32 to vector<16xi32>
    %swap3A_341 = arith.constant 32 : index
    %swap3A_342 = tpu.vector_load %arg11[%swap3A_341] {strides = array<i32>} : memref<128xi32, #tpu.memory_space<vmem>>, vector<16xi32>,
    %swap3A_343 = vector.shape_cast %swap3A_342 : vector<16xi32> to vector<16xi32>
    %swap3A_344 = vector.shape_cast %broadcast_in_dim3A_340 : vector<16xi32> to vector<16xi32>
    tpu.vector_store %arg11[%swap3A_341], %swap3A_344 {strides = array<i32>} : memref<128xi32, #tpu.memory_space<vmem>>, vector<16xi32>,
    %broadcast_in_dim3A_345 = arith.constant 97 : i32
    %broadcast_in_dim3A_346 = vector.broadcast %broadcast_in_dim3A_345 : i32 to vector<16xi32>
    %swap3A_347 = arith.constant 48 : index
    %swap3A_348 = tpu.vector_load %arg11[%swap3A_347] {strides = array<i32>} : memref<128xi32, #tpu.memory_space<vmem>>, vector<16xi32>,
    %swap3A_349 = vector.shape_cast %swap3A_348 : vector<16xi32> to vector<16xi32>
    %swap3A_350 = vector.shape_cast %broadcast_in_dim3A_346 : vector<16xi32> to vector<16xi32>
    tpu.vector_store %arg11[%swap3A_347], %swap3A_350 {strides = array<i32>} : memref<128xi32, #tpu.memory_space<vmem>>, vector<16xi32>,
    %broadcast_in_dim3A_351 = arith.constant 97 : i32
    %broadcast_in_dim3A_352 = vector.broadcast %broadcast_in_dim3A_351 : i32 to vector<16xi32>
    %swap3A_353 = arith.constant 64 : index
    %swap3A_354 = tpu.vector_load %arg11[%swap3A_353] {strides = array<i32>} : memref<128xi32, #tpu.memory_space<vmem>>, vector<16xi32>,
    %swap3A_355 = vector.shape_cast %swap3A_354 : vector<16xi32> to vector<16xi32>
    %swap3A_356 = vector.shape_cast %broadcast_in_dim3A_352 : vector<16xi32> to vector<16xi32>
    tpu.vector_store %arg11[%swap3A_353], %swap3A_356 {strides = array<i32>} : memref<128xi32, #tpu.memory_space<vmem>>, vector<16xi32>,
    %broadcast_in_dim3A_357 = arith.constant 97 : i32
    %broadcast_in_dim3A_358 = vector.broadcast %broadcast_in_dim3A_357 : i32 to vector<16xi32>
    %swap3A_359 = arith.constant 80 : index
    %swap3A_360 = tpu.vector_load %arg11[%swap3A_359] {strides = array<i32>} : memref<128xi32, #tpu.memory_space<vmem>>, vector<16xi32>,
    %swap3A_361 = vector.shape_cast %swap3A_360 : vector<16xi32> to vector<16xi32>
    %swap3A_362 = vector.shape_cast %broadcast_in_dim3A_358 : vector<16xi32> to vector<16xi32>
    tpu.vector_store %arg11[%swap3A_359], %swap3A_362 {strides = array<i32>} : memref<128xi32, #tpu.memory_space<vmem>>, vector<16xi32>,
    %broadcast_in_dim3A_363 = arith.constant 97 : i32
    %broadcast_in_dim3A_364 = vector.broadcast %broadcast_in_dim3A_363 : i32 to vector<16xi32>
    %swap3A_365 = arith.constant 96 : index
    %swap3A_366 = tpu.vector_load %arg11[%swap3A_365] {strides = array<i32>} : memref<128xi32, #tpu.memory_space<vmem>>, vector<16xi32>,
    %swap3A_367 = vector.shape_cast %swap3A_366 : vector<16xi32> to vector<16xi32>
    %swap3A_368 = vector.shape_cast %broadcast_in_dim3A_364 : vector<16xi32> to vector<16xi32>
    tpu.vector_store %arg11[%swap3A_365], %swap3A_368 {strides = array<i32>} : memref<128xi32, #tpu.memory_space<vmem>>, vector<16xi32>,
    %broadcast_in_dim3A_369 = arith.constant 97 : i32
    %broadcast_in_dim3A_370 = vector.broadcast %broadcast_in_dim3A_369 : i32 to vector<16xi32>
    %swap3A_371 = arith.constant 112 : index
    %swap3A_372 = tpu.vector_load %arg11[%swap3A_371] {strides = array<i32>} : memref<128xi32, #tpu.memory_space<vmem>>, vector<16xi32>,
    %swap3A_373 = vector.shape_cast %swap3A_372 : vector<16xi32> to vector<16xi32>
    %swap3A_374 = vector.shape_cast %broadcast_in_dim3A_370 : vector<16xi32> to vector<16xi32>
    tpu.vector_store %arg11[%swap3A_371], %swap3A_374 {strides = array<i32>} : memref<128xi32, #tpu.memory_space<vmem>>, vector<16xi32>,
    %barrier3A = arith.constant 0 : index
    tpu.barrier barrier_id(%barrier3A)
    %dma_start3A = arith.constant 0 : i32
    %dma_start3A_375 = arith.constant 0 : i32
    %dma_start3A_376 = tpu.memref_slice %arg12[%dma_start3A, %dma_start3A_375] : memref<110x128xf32, #tpu.memory_space<vmem_shared>> -> memref<110x128xf32, #tpu.memory_space<vmem_shared>>
    tpu.enqueue_indirect_dma source(%dma_start3A_376 : memref<110x128xf32, #tpu.memory_space<vmem_shared>>) target(%arg19 : memref<128x128xf32, #tpu.memory_space<vmem>>) offsets(%arg11 : memref<128xi32, #tpu.memory_space<vmem>>) semaphore(%arg20 : memref<!tpu.dma_semaphore, #tpu.memory_space<semaphore_mem>>)
    %dma_wait3A = arith.constant 0 : i32
    %dma_wait3A_377 = arith.constant 0 : i32
    %dma_wait3A_378 = tpu.memref_slice %arg12[%dma_wait3A, %dma_wait3A_377] : memref<110x128xf32, #tpu.memory_space<vmem_shared>> -> memref<110x128xf32, #tpu.memory_space<vmem_shared>>
    tpu.wait_indirect_dma semaphore(%arg20 : memref<!tpu.dma_semaphore, #tpu.memory_space<semaphore_mem>>) src(%dma_wait3A_378 : memref<110x128xf32, #tpu.memory_space<vmem_shared>>) dst(%arg19 : memref<128x128xf32, #tpu.memory_space<vmem>>)
    %dma_start3A_379 = arith.constant 0 : i32
    %dma_start3A_380 = tpu.memref_slice %arg8[%dma_start3A_379] : memref<512xi32, #tpu.memory_space<vmem>> -> memref<128xi32, #tpu.memory_space<vmem>>
    %dma_start3A_381 = arith.constant 0 : i32
    %dma_start3A_382 = arith.constant 0 : i32
    %dma_start3A_383 = tpu.memref_slice %arg12[%dma_start3A_381, %dma_start3A_382] : memref<110x128xf32, #tpu.memory_space<vmem_shared>> -> memref<110x128xf32, #tpu.memory_space<vmem_shared>>
    tpu.enqueue_indirect_dma source(%dma_start3A_383 : memref<110x128xf32, #tpu.memory_space<vmem_shared>>) target(%arg13 : memref<128x128xf32, #tpu.memory_space<vmem>>) offsets(%dma_start3A_380 : memref<128xi32, #tpu.memory_space<vmem>>) semaphore(%arg20 : memref<!tpu.dma_semaphore, #tpu.memory_space<semaphore_mem>>)
    %dma_start3A_384 = arith.constant 0 : i32
    %dma_start3A_385 = tpu.memref_slice %arg9[%dma_start3A_384] : memref<512xi32, #tpu.memory_space<vmem>> -> memref<128xi32, #tpu.memory_space<vmem>>
    %dma_start3A_386 = arith.constant 0 : i32
    %dma_start3A_387 = arith.constant 0 : i32
    %dma_start3A_388 = tpu.memref_slice %arg12[%dma_start3A_386, %dma_start3A_387] : memref<110x128xf32, #tpu.memory_space<vmem_shared>> -> memref<110x128xf32, #tpu.memory_space<vmem_shared>>
    tpu.enqueue_indirect_dma source(%dma_start3A_388 : memref<110x128xf32, #tpu.memory_space<vmem_shared>>) target(%arg15 : memref<128x128xf32, #tpu.memory_space<vmem>>) offsets(%dma_start3A_385 : memref<128xi32, #tpu.memory_space<vmem>>) semaphore(%arg20 : memref<!tpu.dma_semaphore, #tpu.memory_space<semaphore_mem>>)
    %dma_start3A_389 = arith.constant 0 : i32
    %dma_start3A_390 = tpu.memref_slice %arg10[%dma_start3A_389] : memref<512xi32, #tpu.memory_space<vmem>> -> memref<128xi32, #tpu.memory_space<vmem>>
    %dma_start3A_391 = arith.constant 0 : i32
    %dma_start3A_392 = arith.constant 0 : i32
    %dma_start3A_393 = tpu.memref_slice %arg12[%dma_start3A_391, %dma_start3A_392] : memref<110x128xf32, #tpu.memory_space<vmem_shared>> -> memref<110x128xf32, #tpu.memory_space<vmem_shared>>
    tpu.enqueue_indirect_dma source(%dma_start3A_393 : memref<110x128xf32, #tpu.memory_space<vmem_shared>>) target(%arg17 : memref<128x128xf32, #tpu.memory_space<vmem>>) offsets(%dma_start3A_390 : memref<128xi32, #tpu.memory_space<vmem>>) semaphore(%arg20 : memref<!tpu.dma_semaphore, #tpu.memory_space<semaphore_mem>>)
    %dma_start3A_394 = arith.constant 128 : i32
    %dma_start3A_395 = tpu.memref_slice %arg8[%dma_start3A_394] : memref<512xi32, #tpu.memory_space<vmem>> -> memref<128xi32, #tpu.memory_space<vmem>>
    %dma_start3A_396 = arith.constant 0 : i32
    %dma_start3A_397 = arith.constant 0 : i32
    %dma_start3A_398 = tpu.memref_slice %arg12[%dma_start3A_396, %dma_start3A_397] : memref<110x128xf32, #tpu.memory_space<vmem_shared>> -> memref<110x128xf32, #tpu.memory_space<vmem_shared>>
    tpu.enqueue_indirect_dma source(%dma_start3A_398 : memref<110x128xf32, #tpu.memory_space<vmem_shared>>) target(%arg14 : memref<128x128xf32, #tpu.memory_space<vmem>>) offsets(%dma_start3A_395 : memref<128xi32, #tpu.memory_space<vmem>>) semaphore(%arg21 : memref<!tpu.dma_semaphore, #tpu.memory_space<semaphore_mem>>)
    %dma_start3A_399 = arith.constant 128 : i32
    %dma_start3A_400 = tpu.memref_slice %arg9[%dma_start3A_399] : memref<512xi32, #tpu.memory_space<vmem>> -> memref<128xi32, #tpu.memory_space<vmem>>
    %dma_start3A_401 = arith.constant 0 : i32
    %dma_start3A_402 = arith.constant 0 : i32
    %dma_start3A_403 = tpu.memref_slice %arg12[%dma_start3A_401, %dma_start3A_402] : memref<110x128xf32, #tpu.memory_space<vmem_shared>> -> memref<110x128xf32, #tpu.memory_space<vmem_shared>>
    tpu.enqueue_indirect_dma source(%dma_start3A_403 : memref<110x128xf32, #tpu.memory_space<vmem_shared>>) target(%arg16 : memref<128x128xf32, #tpu.memory_space<vmem>>) offsets(%dma_start3A_400 : memref<128xi32, #tpu.memory_space<vmem>>) semaphore(%arg21 : memref<!tpu.dma_semaphore, #tpu.memory_space<semaphore_mem>>)
    %dma_start3A_404 = arith.constant 128 : i32
    %dma_start3A_405 = tpu.memref_slice %arg10[%dma_start3A_404] : memref<512xi32, #tpu.memory_space<vmem>> -> memref<128xi32, #tpu.memory_space<vmem>>
    %dma_start3A_406 = arith.constant 0 : i32
    %dma_start3A_407 = arith.constant 0 : i32
    %dma_start3A_408 = tpu.memref_slice %arg12[%dma_start3A_406, %dma_start3A_407] : memref<110x128xf32, #tpu.memory_space<vmem_shared>> -> memref<110x128xf32, #tpu.memory_space<vmem_shared>>
    tpu.enqueue_indirect_dma source(%dma_start3A_408 : memref<110x128xf32, #tpu.memory_space<vmem_shared>>) target(%arg18 : memref<128x128xf32, #tpu.memory_space<vmem>>) offsets(%dma_start3A_405 : memref<128xi32, #tpu.memory_space<vmem>>) semaphore(%arg21 : memref<!tpu.dma_semaphore, #tpu.memory_space<semaphore_mem>>)
    %dma_wait3A_409 = arith.constant 0 : i32
    %dma_wait3A_410 = tpu.memref_slice %arg8[%dma_wait3A_409] : memref<512xi32, #tpu.memory_space<vmem>> -> memref<128xi32, #tpu.memory_space<vmem>>
    %dma_wait3A_411 = arith.constant 0 : i32
    %dma_wait3A_412 = arith.constant 0 : i32
    %dma_wait3A_413 = tpu.memref_slice %arg12[%dma_wait3A_411, %dma_wait3A_412] : memref<110x128xf32, #tpu.memory_space<vmem_shared>> -> memref<110x128xf32, #tpu.memory_space<vmem_shared>>
    tpu.wait_indirect_dma semaphore(%arg20 : memref<!tpu.dma_semaphore, #tpu.memory_space<semaphore_mem>>) src(%dma_wait3A_413 : memref<110x128xf32, #tpu.memory_space<vmem_shared>>) dst(%arg13 : memref<128x128xf32, #tpu.memory_space<vmem>>)
    %dma_wait3A_414 = arith.constant 0 : i32
    %dma_wait3A_415 = tpu.memref_slice %arg9[%dma_wait3A_414] : memref<512xi32, #tpu.memory_space<vmem>> -> memref<128xi32, #tpu.memory_space<vmem>>
    %dma_wait3A_416 = arith.constant 0 : i32
    %dma_wait3A_417 = arith.constant 0 : i32
    %dma_wait3A_418 = tpu.memref_slice %arg12[%dma_wait3A_416, %dma_wait3A_417] : memref<110x128xf32, #tpu.memory_space<vmem_shared>> -> memref<110x128xf32, #tpu.memory_space<vmem_shared>>
    tpu.wait_indirect_dma semaphore(%arg20 : memref<!tpu.dma_semaphore, #tpu.memory_space<semaphore_mem>>) src(%dma_wait3A_418 : memref<110x128xf32, #tpu.memory_space<vmem_shared>>) dst(%arg15 : memref<128x128xf32, #tpu.memory_space<vmem>>)
    %dma_wait3A_419 = arith.constant 0 : i32
    %dma_wait3A_420 = tpu.memref_slice %arg10[%dma_wait3A_419] : memref<512xi32, #tpu.memory_space<vmem>> -> memref<128xi32, #tpu.memory_space<vmem>>
    %dma_wait3A_421 = arith.constant 0 : i32
    %dma_wait3A_422 = arith.constant 0 : i32
    %dma_wait3A_423 = tpu.memref_slice %arg12[%dma_wait3A_421, %dma_wait3A_422] : memref<110x128xf32, #tpu.memory_space<vmem_shared>> -> memref<110x128xf32, #tpu.memory_space<vmem_shared>>
    tpu.wait_indirect_dma semaphore(%arg20 : memref<!tpu.dma_semaphore, #tpu.memory_space<semaphore_mem>>) src(%dma_wait3A_423 : memref<110x128xf32, #tpu.memory_space<vmem_shared>>) dst(%arg17 : memref<128x128xf32, #tpu.memory_space<vmem>>)
    %add3A_424 = arith.constant 0 : i32
    %add3A_425 = arith.addi %mul3A_2, %add3A_424 : i32
    %dma_start3A_426 = arith.constant 0 : i32
    %dma_start3A_427 = arith.constant 0 : i32
    %dma_start3A_428 = tpu.memref_slice %arg7[%add3A_425, %dma_start3A_426, %dma_start3A_427] : memref<16384x4x128xf32, #tpu.memory_space<hbm>> -> memref<128x1x128xf32, #tpu.memory_space<hbm>>
    %dma_start3A_429 = tpu.memref_squeeze %dma_start3A_428 : memref<128x1x128xf32, #tpu.memory_space<hbm>> -> memref<128x128xf32, #tpu.memory_space<hbm>>
    %dma_start3A_430 = arith.constant 0 : i32
    %dma_start3A_431 = tpu.memref_slice %arg7[%add3A_425, %dma_start3A_426, %dma_start3A_430] : memref<16384x4x128xf32, #tpu.memory_space<hbm>> -> memref<128x1x128xf32, #tpu.memory_space<hbm>>
    %dma_start3A_432 = tpu.memref_squeeze %dma_start3A_431 : memref<128x1x128xf32, #tpu.memory_space<hbm>> -> memref<128x128xf32, #tpu.memory_space<hbm>>
    tpu.enqueue_dma source(%arg13 : memref<128x128xf32, #tpu.memory_space<vmem>>) target(%dma_start3A_432 : memref<128x128xf32, #tpu.memory_space<hbm>>) target_semaphore(%arg22 : memref<!tpu.dma_semaphore, #tpu.memory_space<semaphore_mem>>)
    %dma_start3A_433 = arith.constant 1 : i32
    %dma_start3A_434 = arith.constant 0 : i32
    %dma_start3A_435 = tpu.memref_slice %arg7[%add3A_425, %dma_start3A_433, %dma_start3A_434] : memref<16384x4x128xf32, #tpu.memory_space<hbm>> -> memref<128x1x128xf32, #tpu.memory_space<hbm>>
    %dma_start3A_436 = tpu.memref_squeeze %dma_start3A_435 : memref<128x1x128xf32, #tpu.memory_space<hbm>> -> memref<128x128xf32, #tpu.memory_space<hbm>>
    %dma_start3A_437 = arith.constant 0 : i32
    %dma_start3A_438 = tpu.memref_slice %arg7[%add3A_425, %dma_start3A_433, %dma_start3A_437] : memref<16384x4x128xf32, #tpu.memory_space<hbm>> -> memref<128x1x128xf32, #tpu.memory_space<hbm>>
    %dma_start3A_439 = tpu.memref_squeeze %dma_start3A_438 : memref<128x1x128xf32, #tpu.memory_space<hbm>> -> memref<128x128xf32, #tpu.memory_space<hbm>>
    tpu.enqueue_dma source(%arg15 : memref<128x128xf32, #tpu.memory_space<vmem>>) target(%dma_start3A_439 : memref<128x128xf32, #tpu.memory_space<hbm>>) target_semaphore(%arg22 : memref<!tpu.dma_semaphore, #tpu.memory_space<semaphore_mem>>)
    %dma_start3A_440 = arith.constant 2 : i32
    %dma_start3A_441 = arith.constant 0 : i32
    %dma_start3A_442 = tpu.memref_slice %arg7[%add3A_425, %dma_start3A_440, %dma_start3A_441] : memref<16384x4x128xf32, #tpu.memory_space<hbm>> -> memref<128x1x128xf32, #tpu.memory_space<hbm>>
    %dma_start3A_443 = tpu.memref_squeeze %dma_start3A_442 : memref<128x1x128xf32, #tpu.memory_space<hbm>> -> memref<128x128xf32, #tpu.memory_space<hbm>>
    %dma_start3A_444 = arith.constant 0 : i32
    %dma_start3A_445 = tpu.memref_slice %arg7[%add3A_425, %dma_start3A_440, %dma_start3A_444] : memref<16384x4x128xf32, #tpu.memory_space<hbm>> -> memref<128x1x128xf32, #tpu.memory_space<hbm>>
    %dma_start3A_446 = tpu.memref_squeeze %dma_start3A_445 : memref<128x1x128xf32, #tpu.memory_space<hbm>> -> memref<128x128xf32, #tpu.memory_space<hbm>>
    tpu.enqueue_dma source(%arg17 : memref<128x128xf32, #tpu.memory_space<vmem>>) target(%dma_start3A_446 : memref<128x128xf32, #tpu.memory_space<hbm>>) target_semaphore(%arg22 : memref<!tpu.dma_semaphore, #tpu.memory_space<semaphore_mem>>)
    %dma_start3A_447 = arith.constant 3 : i32
    %dma_start3A_448 = arith.constant 0 : i32
    %dma_start3A_449 = tpu.memref_slice %arg7[%add3A_425, %dma_start3A_447, %dma_start3A_448] : memref<16384x4x128xf32, #tpu.memory_space<hbm>> -> memref<128x1x128xf32, #tpu.memory_space<hbm>>
    %dma_start3A_450 = tpu.memref_squeeze %dma_start3A_449 : memref<128x1x128xf32, #tpu.memory_space<hbm>> -> memref<128x128xf32, #tpu.memory_space<hbm>>
    %dma_start3A_451 = arith.constant 0 : i32
    %dma_start3A_452 = tpu.memref_slice %arg7[%add3A_425, %dma_start3A_447, %dma_start3A_451] : memref<16384x4x128xf32, #tpu.memory_space<hbm>> -> memref<128x1x128xf32, #tpu.memory_space<hbm>>
    %dma_start3A_453 = tpu.memref_squeeze %dma_start3A_452 : memref<128x1x128xf32, #tpu.memory_space<hbm>> -> memref<128x128xf32, #tpu.memory_space<hbm>>
    tpu.enqueue_dma source(%arg19 : memref<128x128xf32, #tpu.memory_space<vmem>>) target(%dma_start3A_453 : memref<128x128xf32, #tpu.memory_space<hbm>>) target_semaphore(%arg24 : memref<!tpu.dma_semaphore, #tpu.memory_space<semaphore_mem>>)
    %dma_wait3A_454 = arith.constant 0 : i32
    %dma_wait3A_455 = arith.constant 0 : i32
    %dma_wait3A_456 = tpu.memref_slice %arg7[%add3A_425, %dma_wait3A_454, %dma_wait3A_455] : memref<16384x4x128xf32, #tpu.memory_space<hbm>> -> memref<128x1x128xf32, #tpu.memory_space<hbm>>
    %dma_wait3A_457 = tpu.memref_squeeze %dma_wait3A_456 : memref<128x1x128xf32, #tpu.memory_space<hbm>> -> memref<128x128xf32, #tpu.memory_space<hbm>>
    %dma_wait3A_458 = arith.constant 0 : i32
    %dma_wait3A_459 = tpu.memref_slice %arg7[%add3A_425, %dma_wait3A_454, %dma_wait3A_458] : memref<16384x4x128xf32, #tpu.memory_space<hbm>> -> memref<128x1x128xf32, #tpu.memory_space<hbm>>
    %dma_wait3A_460 = tpu.memref_squeeze %dma_wait3A_459 : memref<128x1x128xf32, #tpu.memory_space<hbm>> -> memref<128x128xf32, #tpu.memory_space<hbm>>
    tpu.wait_dma2 semaphore(%arg22 : memref<!tpu.dma_semaphore, #tpu.memory_space<semaphore_mem>>) src(%arg13 : memref<128x128xf32, #tpu.memory_space<vmem>>) dst(%dma_wait3A_460 : memref<128x128xf32, #tpu.memory_space<hbm>>)
    %dma_wait3A_461 = arith.constant 1 : i32
    %dma_wait3A_462 = arith.constant 0 : i32
    %dma_wait3A_463 = tpu.memref_slice %arg7[%add3A_425, %dma_wait3A_461, %dma_wait3A_462] : memref<16384x4x128xf32, #tpu.memory_space<hbm>> -> memref<128x1x128xf32, #tpu.memory_space<hbm>>
    %dma_wait3A_464 = tpu.memref_squeeze %dma_wait3A_463 : memref<128x1x128xf32, #tpu.memory_space<hbm>> -> memref<128x128xf32, #tpu.memory_space<hbm>>
    %dma_wait3A_465 = arith.constant 0 : i32
    %dma_wait3A_466 = tpu.memref_slice %arg7[%add3A_425, %dma_wait3A_461, %dma_wait3A_465] : memref<16384x4x128xf32, #tpu.memory_space<hbm>> -> memref<128x1x128xf32, #tpu.memory_space<hbm>>
    %dma_wait3A_467 = tpu.memref_squeeze %dma_wait3A_466 : memref<128x1x128xf32, #tpu.memory_space<hbm>> -> memref<128x128xf32, #tpu.memory_space<hbm>>
    tpu.wait_dma2 semaphore(%arg22 : memref<!tpu.dma_semaphore, #tpu.memory_space<semaphore_mem>>) src(%arg15 : memref<128x128xf32, #tpu.memory_space<vmem>>) dst(%dma_wait3A_467 : memref<128x128xf32, #tpu.memory_space<hbm>>)
    %dma_wait3A_468 = arith.constant 2 : i32
    %dma_wait3A_469 = arith.constant 0 : i32
    %dma_wait3A_470 = tpu.memref_slice %arg7[%add3A_425, %dma_wait3A_468, %dma_wait3A_469] : memref<16384x4x128xf32, #tpu.memory_space<hbm>> -> memref<128x1x128xf32, #tpu.memory_space<hbm>>
    %dma_wait3A_471 = tpu.memref_squeeze %dma_wait3A_470 : memref<128x1x128xf32, #tpu.memory_space<hbm>> -> memref<128x128xf32, #tpu.memory_space<hbm>>
    %dma_wait3A_472 = arith.constant 0 : i32
    %dma_wait3A_473 = tpu.memref_slice %arg7[%add3A_425, %dma_wait3A_468, %dma_wait3A_472] : memref<16384x4x128xf32, #tpu.memory_space<hbm>> -> memref<128x1x128xf32, #tpu.memory_space<hbm>>
    %dma_wait3A_474 = tpu.memref_squeeze %dma_wait3A_473 : memref<128x1x128xf32, #tpu.memory_space<hbm>> -> memref<128x128xf32, #tpu.memory_space<hbm>>
    tpu.wait_dma2 semaphore(%arg22 : memref<!tpu.dma_semaphore, #tpu.memory_space<semaphore_mem>>) src(%arg17 : memref<128x128xf32, #tpu.memory_space<vmem>>) dst(%dma_wait3A_474 : memref<128x128xf32, #tpu.memory_space<hbm>>)
    %dma_start3A_475 = arith.constant 256 : i32
    %dma_start3A_476 = tpu.memref_slice %arg8[%dma_start3A_475] : memref<512xi32, #tpu.memory_space<vmem>> -> memref<128xi32, #tpu.memory_space<vmem>>
    %dma_start3A_477 = arith.constant 0 : i32
    %dma_start3A_478 = arith.constant 0 : i32
    %dma_start3A_479 = tpu.memref_slice %arg12[%dma_start3A_477, %dma_start3A_478] : memref<110x128xf32, #tpu.memory_space<vmem_shared>> -> memref<110x128xf32, #tpu.memory_space<vmem_shared>>
    tpu.enqueue_indirect_dma source(%dma_start3A_479 : memref<110x128xf32, #tpu.memory_space<vmem_shared>>) target(%arg13 : memref<128x128xf32, #tpu.memory_space<vmem>>) offsets(%dma_start3A_476 : memref<128xi32, #tpu.memory_space<vmem>>) semaphore(%arg20 : memref<!tpu.dma_semaphore, #tpu.memory_space<semaphore_mem>>)
    %dma_start3A_480 = arith.constant 256 : i32
    %dma_start3A_481 = tpu.memref_slice %arg9[%dma_start3A_480] : memref<512xi32, #tpu.memory_space<vmem>> -> memref<128xi32, #tpu.memory_space<vmem>>
    %dma_start3A_482 = arith.constant 0 : i32
    %dma_start3A_483 = arith.constant 0 : i32
    %dma_start3A_484 = tpu.memref_slice %arg12[%dma_start3A_482, %dma_start3A_483] : memref<110x128xf32, #tpu.memory_space<vmem_shared>> -> memref<110x128xf32, #tpu.memory_space<vmem_shared>>
    tpu.enqueue_indirect_dma source(%dma_start3A_484 : memref<110x128xf32, #tpu.memory_space<vmem_shared>>) target(%arg15 : memref<128x128xf32, #tpu.memory_space<vmem>>) offsets(%dma_start3A_481 : memref<128xi32, #tpu.memory_space<vmem>>) semaphore(%arg20 : memref<!tpu.dma_semaphore, #tpu.memory_space<semaphore_mem>>)
    %dma_start3A_485 = arith.constant 256 : i32
    %dma_start3A_486 = tpu.memref_slice %arg10[%dma_start3A_485] : memref<512xi32, #tpu.memory_space<vmem>> -> memref<128xi32, #tpu.memory_space<vmem>>
    %dma_start3A_487 = arith.constant 0 : i32
    %dma_start3A_488 = arith.constant 0 : i32
    %dma_start3A_489 = tpu.memref_slice %arg12[%dma_start3A_487, %dma_start3A_488] : memref<110x128xf32, #tpu.memory_space<vmem_shared>> -> memref<110x128xf32, #tpu.memory_space<vmem_shared>>
    tpu.enqueue_indirect_dma source(%dma_start3A_489 : memref<110x128xf32, #tpu.memory_space<vmem_shared>>) target(%arg17 : memref<128x128xf32, #tpu.memory_space<vmem>>) offsets(%dma_start3A_486 : memref<128xi32, #tpu.memory_space<vmem>>) semaphore(%arg20 : memref<!tpu.dma_semaphore, #tpu.memory_space<semaphore_mem>>)
    %dma_wait3A_490 = arith.constant 128 : i32
    %dma_wait3A_491 = tpu.memref_slice %arg8[%dma_wait3A_490] : memref<512xi32, #tpu.memory_space<vmem>> -> memref<128xi32, #tpu.memory_space<vmem>>
    %dma_wait3A_492 = arith.constant 0 : i32
    %dma_wait3A_493 = arith.constant 0 : i32
    %dma_wait3A_494 = tpu.memref_slice %arg12[%dma_wait3A_492, %dma_wait3A_493] : memref<110x128xf32, #tpu.memory_space<vmem_shared>> -> memref<110x128xf32, #tpu.memory_space<vmem_shared>>
    tpu.wait_indirect_dma semaphore(%arg21 : memref<!tpu.dma_semaphore, #tpu.memory_space<semaphore_mem>>) src(%dma_wait3A_494 : memref<110x128xf32, #tpu.memory_space<vmem_shared>>) dst(%arg14 : memref<128x128xf32, #tpu.memory_space<vmem>>)
    %dma_wait3A_495 = arith.constant 128 : i32
    %dma_wait3A_496 = tpu.memref_slice %arg9[%dma_wait3A_495] : memref<512xi32, #tpu.memory_space<vmem>> -> memref<128xi32, #tpu.memory_space<vmem>>
    %dma_wait3A_497 = arith.constant 0 : i32
    %dma_wait3A_498 = arith.constant 0 : i32
    %dma_wait3A_499 = tpu.memref_slice %arg12[%dma_wait3A_497, %dma_wait3A_498] : memref<110x128xf32, #tpu.memory_space<vmem_shared>> -> memref<110x128xf32, #tpu.memory_space<vmem_shared>>
    tpu.wait_indirect_dma semaphore(%arg21 : memref<!tpu.dma_semaphore, #tpu.memory_space<semaphore_mem>>) src(%dma_wait3A_499 : memref<110x128xf32, #tpu.memory_space<vmem_shared>>) dst(%arg16 : memref<128x128xf32, #tpu.memory_space<vmem>>)
    %dma_wait3A_500 = arith.constant 128 : i32
    %dma_wait3A_501 = tpu.memref_slice %arg10[%dma_wait3A_500] : memref<512xi32, #tpu.memory_space<vmem>> -> memref<128xi32, #tpu.memory_space<vmem>>
    %dma_wait3A_502 = arith.constant 0 : i32
    %dma_wait3A_503 = arith.constant 0 : i32
    %dma_wait3A_504 = tpu.memref_slice %arg12[%dma_wait3A_502, %dma_wait3A_503] : memref<110x128xf32, #tpu.memory_space<vmem_shared>> -> memref<110x128xf32, #tpu.memory_space<vmem_shared>>
    tpu.wait_indirect_dma semaphore(%arg21 : memref<!tpu.dma_semaphore, #tpu.memory_space<semaphore_mem>>) src(%dma_wait3A_504 : memref<110x128xf32, #tpu.memory_space<vmem_shared>>) dst(%arg18 : memref<128x128xf32, #tpu.memory_space<vmem>>)
    %add3A_505 = arith.constant 128 : i32
    %add3A_506 = arith.addi %mul3A_2, %add3A_505 : i32
    %dma_start3A_507 = arith.constant 0 : i32
    %dma_start3A_508 = arith.constant 0 : i32
    %dma_start3A_509 = tpu.memref_slice %arg7[%add3A_506, %dma_start3A_507, %dma_start3A_508] : memref<16384x4x128xf32, #tpu.memory_space<hbm>> -> memref<128x1x128xf32, #tpu.memory_space<hbm>>
    %dma_start3A_510 = tpu.memref_squeeze %dma_start3A_509 : memref<128x1x128xf32, #tpu.memory_space<hbm>> -> memref<128x128xf32, #tpu.memory_space<hbm>>
    %dma_start3A_511 = arith.constant 0 : i32
    %dma_start3A_512 = tpu.memref_slice %arg7[%add3A_506, %dma_start3A_507, %dma_start3A_511] : memref<16384x4x128xf32, #tpu.memory_space<hbm>> -> memref<128x1x128xf32, #tpu.memory_space<hbm>>
    %dma_start3A_513 = tpu.memref_squeeze %dma_start3A_512 : memref<128x1x128xf32, #tpu.memory_space<hbm>> -> memref<128x128xf32, #tpu.memory_space<hbm>>
    tpu.enqueue_dma source(%arg14 : memref<128x128xf32, #tpu.memory_space<vmem>>) target(%dma_start3A_513 : memref<128x128xf32, #tpu.memory_space<hbm>>) target_semaphore(%arg23 : memref<!tpu.dma_semaphore, #tpu.memory_space<semaphore_mem>>)
    %dma_start3A_514 = arith.constant 1 : i32
    %dma_start3A_515 = arith.constant 0 : i32
    %dma_start3A_516 = tpu.memref_slice %arg7[%add3A_506, %dma_start3A_514, %dma_start3A_515] : memref<16384x4x128xf32, #tpu.memory_space<hbm>> -> memref<128x1x128xf32, #tpu.memory_space<hbm>>
    %dma_start3A_517 = tpu.memref_squeeze %dma_start3A_516 : memref<128x1x128xf32, #tpu.memory_space<hbm>> -> memref<128x128xf32, #tpu.memory_space<hbm>>
    %dma_start3A_518 = arith.constant 0 : i32
    %dma_start3A_519 = tpu.memref_slice %arg7[%add3A_506, %dma_start3A_514, %dma_start3A_518] : memref<16384x4x128xf32, #tpu.memory_space<hbm>> -> memref<128x1x128xf32, #tpu.memory_space<hbm>>
    %dma_start3A_520 = tpu.memref_squeeze %dma_start3A_519 : memref<128x1x128xf32, #tpu.memory_space<hbm>> -> memref<128x128xf32, #tpu.memory_space<hbm>>
    tpu.enqueue_dma source(%arg16 : memref<128x128xf32, #tpu.memory_space<vmem>>) target(%dma_start3A_520 : memref<128x128xf32, #tpu.memory_space<hbm>>) target_semaphore(%arg23 : memref<!tpu.dma_semaphore, #tpu.memory_space<semaphore_mem>>)
    %dma_start3A_521 = arith.constant 2 : i32
    %dma_start3A_522 = arith.constant 0 : i32
    %dma_start3A_523 = tpu.memref_slice %arg7[%add3A_506, %dma_start3A_521, %dma_start3A_522] : memref<16384x4x128xf32, #tpu.memory_space<hbm>> -> memref<128x1x128xf32, #tpu.memory_space<hbm>>
    %dma_start3A_524 = tpu.memref_squeeze %dma_start3A_523 : memref<128x1x128xf32, #tpu.memory_space<hbm>> -> memref<128x128xf32, #tpu.memory_space<hbm>>
    %dma_start3A_525 = arith.constant 0 : i32
    %dma_start3A_526 = tpu.memref_slice %arg7[%add3A_506, %dma_start3A_521, %dma_start3A_525] : memref<16384x4x128xf32, #tpu.memory_space<hbm>> -> memref<128x1x128xf32, #tpu.memory_space<hbm>>
    %dma_start3A_527 = tpu.memref_squeeze %dma_start3A_526 : memref<128x1x128xf32, #tpu.memory_space<hbm>> -> memref<128x128xf32, #tpu.memory_space<hbm>>
    tpu.enqueue_dma source(%arg18 : memref<128x128xf32, #tpu.memory_space<vmem>>) target(%dma_start3A_527 : memref<128x128xf32, #tpu.memory_space<hbm>>) target_semaphore(%arg23 : memref<!tpu.dma_semaphore, #tpu.memory_space<semaphore_mem>>)
    %dma_start3A_528 = arith.constant 3 : i32
    %dma_start3A_529 = arith.constant 0 : i32
    %dma_start3A_530 = tpu.memref_slice %arg7[%add3A_506, %dma_start3A_528, %dma_start3A_529] : memref<16384x4x128xf32, #tpu.memory_space<hbm>> -> memref<128x1x128xf32, #tpu.memory_space<hbm>>
    %dma_start3A_531 = tpu.memref_squeeze %dma_start3A_530 : memref<128x1x128xf32, #tpu.memory_space<hbm>> -> memref<128x128xf32, #tpu.memory_space<hbm>>
    %dma_start3A_532 = arith.constant 0 : i32
    %dma_start3A_533 = tpu.memref_slice %arg7[%add3A_506, %dma_start3A_528, %dma_start3A_532] : memref<16384x4x128xf32, #tpu.memory_space<hbm>> -> memref<128x1x128xf32, #tpu.memory_space<hbm>>
    %dma_start3A_534 = tpu.memref_squeeze %dma_start3A_533 : memref<128x1x128xf32, #tpu.memory_space<hbm>> -> memref<128x128xf32, #tpu.memory_space<hbm>>
    tpu.enqueue_dma source(%arg19 : memref<128x128xf32, #tpu.memory_space<vmem>>) target(%dma_start3A_534 : memref<128x128xf32, #tpu.memory_space<hbm>>) target_semaphore(%arg24 : memref<!tpu.dma_semaphore, #tpu.memory_space<semaphore_mem>>)
    %dma_wait3A_535 = arith.constant 0 : i32
    %dma_wait3A_536 = arith.constant 0 : i32
    %dma_wait3A_537 = tpu.memref_slice %arg7[%add3A_506, %dma_wait3A_535, %dma_wait3A_536] : memref<16384x4x128xf32, #tpu.memory_space<hbm>> -> memref<128x1x128xf32, #tpu.memory_space<hbm>>
    %dma_wait3A_538 = tpu.memref_squeeze %dma_wait3A_537 : memref<128x1x128xf32, #tpu.memory_space<hbm>> -> memref<128x128xf32, #tpu.memory_space<hbm>>
    %dma_wait3A_539 = arith.constant 0 : i32
    %dma_wait3A_540 = tpu.memref_slice %arg7[%add3A_506, %dma_wait3A_535, %dma_wait3A_539] : memref<16384x4x128xf32, #tpu.memory_space<hbm>> -> memref<128x1x128xf32, #tpu.memory_space<hbm>>
    %dma_wait3A_541 = tpu.memref_squeeze %dma_wait3A_540 : memref<128x1x128xf32, #tpu.memory_space<hbm>> -> memref<128x128xf32, #tpu.memory_space<hbm>>
    tpu.wait_dma2 semaphore(%arg23 : memref<!tpu.dma_semaphore, #tpu.memory_space<semaphore_mem>>) src(%arg14 : memref<128x128xf32, #tpu.memory_space<vmem>>) dst(%dma_wait3A_541 : memref<128x128xf32, #tpu.memory_space<hbm>>)
    %dma_wait3A_542 = arith.constant 1 : i32
    %dma_wait3A_543 = arith.constant 0 : i32
    %dma_wait3A_544 = tpu.memref_slice %arg7[%add3A_506, %dma_wait3A_542, %dma_wait3A_543] : memref<16384x4x128xf32, #tpu.memory_space<hbm>> -> memref<128x1x128xf32, #tpu.memory_space<hbm>>
    %dma_wait3A_545 = tpu.memref_squeeze %dma_wait3A_544 : memref<128x1x128xf32, #tpu.memory_space<hbm>> -> memref<128x128xf32, #tpu.memory_space<hbm>>
    %dma_wait3A_546 = arith.constant 0 : i32
    %dma_wait3A_547 = tpu.memref_slice %arg7[%add3A_506, %dma_wait3A_542, %dma_wait3A_546] : memref<16384x4x128xf32, #tpu.memory_space<hbm>> -> memref<128x1x128xf32, #tpu.memory_space<hbm>>
    %dma_wait3A_548 = tpu.memref_squeeze %dma_wait3A_547 : memref<128x1x128xf32, #tpu.memory_space<hbm>> -> memref<128x128xf32, #tpu.memory_space<hbm>>
    tpu.wait_dma2 semaphore(%arg23 : memref<!tpu.dma_semaphore, #tpu.memory_space<semaphore_mem>>) src(%arg16 : memref<128x128xf32, #tpu.memory_space<vmem>>) dst(%dma_wait3A_548 : memref<128x128xf32, #tpu.memory_space<hbm>>)
    %dma_wait3A_549 = arith.constant 2 : i32
    %dma_wait3A_550 = arith.constant 0 : i32
    %dma_wait3A_551 = tpu.memref_slice %arg7[%add3A_506, %dma_wait3A_549, %dma_wait3A_550] : memref<16384x4x128xf32, #tpu.memory_space<hbm>> -> memref<128x1x128xf32, #tpu.memory_space<hbm>>
    %dma_wait3A_552 = tpu.memref_squeeze %dma_wait3A_551 : memref<128x1x128xf32, #tpu.memory_space<hbm>> -> memref<128x128xf32, #tpu.memory_space<hbm>>
    %dma_wait3A_553 = arith.constant 0 : i32
    %dma_wait3A_554 = tpu.memref_slice %arg7[%add3A_506, %dma_wait3A_549, %dma_wait3A_553] : memref<16384x4x128xf32, #tpu.memory_space<hbm>> -> memref<128x1x128xf32, #tpu.memory_space<hbm>>
    %dma_wait3A_555 = tpu.memref_squeeze %dma_wait3A_554 : memref<128x1x128xf32, #tpu.memory_space<hbm>> -> memref<128x128xf32, #tpu.memory_space<hbm>>
    tpu.wait_dma2 semaphore(%arg23 : memref<!tpu.dma_semaphore, #tpu.memory_space<semaphore_mem>>) src(%arg18 : memref<128x128xf32, #tpu.memory_space<vmem>>) dst(%dma_wait3A_555 : memref<128x128xf32, #tpu.memory_space<hbm>>)
    %dma_start3A_556 = arith.constant 384 : i32
    %dma_start3A_557 = tpu.memref_slice %arg8[%dma_start3A_556] : memref<512xi32, #tpu.memory_space<vmem>> -> memref<128xi32, #tpu.memory_space<vmem>>
    %dma_start3A_558 = arith.constant 0 : i32
    %dma_start3A_559 = arith.constant 0 : i32
    %dma_start3A_560 = tpu.memref_slice %arg12[%dma_start3A_558, %dma_start3A_559] : memref<110x128xf32, #tpu.memory_space<vmem_shared>> -> memref<110x128xf32, #tpu.memory_space<vmem_shared>>
    tpu.enqueue_indirect_dma source(%dma_start3A_560 : memref<110x128xf32, #tpu.memory_space<vmem_shared>>) target(%arg14 : memref<128x128xf32, #tpu.memory_space<vmem>>) offsets(%dma_start3A_557 : memref<128xi32, #tpu.memory_space<vmem>>) semaphore(%arg21 : memref<!tpu.dma_semaphore, #tpu.memory_space<semaphore_mem>>)
    %dma_start3A_561 = arith.constant 384 : i32
    %dma_start3A_562 = tpu.memref_slice %arg9[%dma_start3A_561] : memref<512xi32, #tpu.memory_space<vmem>> -> memref<128xi32, #tpu.memory_space<vmem>>
    %dma_start3A_563 = arith.constant 0 : i32
    %dma_start3A_564 = arith.constant 0 : i32
    %dma_start3A_565 = tpu.memref_slice %arg12[%dma_start3A_563, %dma_start3A_564] : memref<110x128xf32, #tpu.memory_space<vmem_shared>> -> memref<110x128xf32, #tpu.memory_space<vmem_shared>>
    tpu.enqueue_indirect_dma source(%dma_start3A_565 : memref<110x128xf32, #tpu.memory_space<vmem_shared>>) target(%arg16 : memref<128x128xf32, #tpu.memory_space<vmem>>) offsets(%dma_start3A_562 : memref<128xi32, #tpu.memory_space<vmem>>) semaphore(%arg21 : memref<!tpu.dma_semaphore, #tpu.memory_space<semaphore_mem>>)
    %dma_start3A_566 = arith.constant 384 : i32
    %dma_start3A_567 = tpu.memref_slice %arg10[%dma_start3A_566] : memref<512xi32, #tpu.memory_space<vmem>> -> memref<128xi32, #tpu.memory_space<vmem>>
    %dma_start3A_568 = arith.constant 0 : i32
    %dma_start3A_569 = arith.constant 0 : i32
    %dma_start3A_570 = tpu.memref_slice %arg12[%dma_start3A_568, %dma_start3A_569] : memref<110x128xf32, #tpu.memory_space<vmem_shared>> -> memref<110x128xf32, #tpu.memory_space<vmem_shared>>
    tpu.enqueue_indirect_dma source(%dma_start3A_570 : memref<110x128xf32, #tpu.memory_space<vmem_shared>>) target(%arg18 : memref<128x128xf32, #tpu.memory_space<vmem>>) offsets(%dma_start3A_567 : memref<128xi32, #tpu.memory_space<vmem>>) semaphore(%arg21 : memref<!tpu.dma_semaphore, #tpu.memory_space<semaphore_mem>>)
    %dma_wait3A_571 = arith.constant 256 : i32
    %dma_wait3A_572 = tpu.memref_slice %arg8[%dma_wait3A_571] : memref<512xi32, #tpu.memory_space<vmem>> -> memref<128xi32, #tpu.memory_space<vmem>>
    %dma_wait3A_573 = arith.constant 0 : i32
    %dma_wait3A_574 = arith.constant 0 : i32
    %dma_wait3A_575 = tpu.memref_slice %arg12[%dma_wait3A_573, %dma_wait3A_574] : memref<110x128xf32, #tpu.memory_space<vmem_shared>> -> memref<110x128xf32, #tpu.memory_space<vmem_shared>>
    tpu.wait_indirect_dma semaphore(%arg20 : memref<!tpu.dma_semaphore, #tpu.memory_space<semaphore_mem>>) src(%dma_wait3A_575 : memref<110x128xf32, #tpu.memory_space<vmem_shared>>) dst(%arg13 : memref<128x128xf32, #tpu.memory_space<vmem>>)
    %dma_wait3A_576 = arith.constant 256 : i32
    %dma_wait3A_577 = tpu.memref_slice %arg9[%dma_wait3A_576] : memref<512xi32, #tpu.memory_space<vmem>> -> memref<128xi32, #tpu.memory_space<vmem>>
    %dma_wait3A_578 = arith.constant 0 : i32
    %dma_wait3A_579 = arith.constant 0 : i32
    %dma_wait3A_580 = tpu.memref_slice %arg12[%dma_wait3A_578, %dma_wait3A_579] : memref<110x128xf32, #tpu.memory_space<vmem_shared>> -> memref<110x128xf32, #tpu.memory_space<vmem_shared>>
    tpu.wait_indirect_dma semaphore(%arg20 : memref<!tpu.dma_semaphore, #tpu.memory_space<semaphore_mem>>) src(%dma_wait3A_580 : memref<110x128xf32, #tpu.memory_space<vmem_shared>>) dst(%arg15 : memref<128x128xf32, #tpu.memory_space<vmem>>)
    %dma_wait3A_581 = arith.constant 256 : i32
    %dma_wait3A_582 = tpu.memref_slice %arg10[%dma_wait3A_581] : memref<512xi32, #tpu.memory_space<vmem>> -> memref<128xi32, #tpu.memory_space<vmem>>
    %dma_wait3A_583 = arith.constant 0 : i32
    %dma_wait3A_584 = arith.constant 0 : i32
    %dma_wait3A_585 = tpu.memref_slice %arg12[%dma_wait3A_583, %dma_wait3A_584] : memref<110x128xf32, #tpu.memory_space<vmem_shared>> -> memref<110x128xf32, #tpu.memory_space<vmem_shared>>
    tpu.wait_indirect_dma semaphore(%arg20 : memref<!tpu.dma_semaphore, #tpu.memory_space<semaphore_mem>>) src(%dma_wait3A_585 : memref<110x128xf32, #tpu.memory_space<vmem_shared>>) dst(%arg17 : memref<128x128xf32, #tpu.memory_space<vmem>>)
    %add3A_586 = arith.constant 256 : i32
    %add3A_587 = arith.addi %mul3A_2, %add3A_586 : i32
    %dma_start3A_588 = arith.constant 0 : i32
    %dma_start3A_589 = arith.constant 0 : i32
    %dma_start3A_590 = tpu.memref_slice %arg7[%add3A_587, %dma_start3A_588, %dma_start3A_589] : memref<16384x4x128xf32, #tpu.memory_space<hbm>> -> memref<128x1x128xf32, #tpu.memory_space<hbm>>
    %dma_start3A_591 = tpu.memref_squeeze %dma_start3A_590 : memref<128x1x128xf32, #tpu.memory_space<hbm>> -> memref<128x128xf32, #tpu.memory_space<hbm>>
    %dma_start3A_592 = arith.constant 0 : i32
    %dma_start3A_593 = tpu.memref_slice %arg7[%add3A_587, %dma_start3A_588, %dma_start3A_592] : memref<16384x4x128xf32, #tpu.memory_space<hbm>> -> memref<128x1x128xf32, #tpu.memory_space<hbm>>
    %dma_start3A_594 = tpu.memref_squeeze %dma_start3A_593 : memref<128x1x128xf32, #tpu.memory_space<hbm>> -> memref<128x128xf32, #tpu.memory_space<hbm>>
    tpu.enqueue_dma source(%arg13 : memref<128x128xf32, #tpu.memory_space<vmem>>) target(%dma_start3A_594 : memref<128x128xf32, #tpu.memory_space<hbm>>) target_semaphore(%arg22 : memref<!tpu.dma_semaphore, #tpu.memory_space<semaphore_mem>>)
    %dma_start3A_595 = arith.constant 1 : i32
    %dma_start3A_596 = arith.constant 0 : i32
    %dma_start3A_597 = tpu.memref_slice %arg7[%add3A_587, %dma_start3A_595, %dma_start3A_596] : memref<16384x4x128xf32, #tpu.memory_space<hbm>> -> memref<128x1x128xf32, #tpu.memory_space<hbm>>
    %dma_start3A_598 = tpu.memref_squeeze %dma_start3A_597 : memref<128x1x128xf32, #tpu.memory_space<hbm>> -> memref<128x128xf32, #tpu.memory_space<hbm>>
    %dma_start3A_599 = arith.constant 0 : i32
    %dma_start3A_600 = tpu.memref_slice %arg7[%add3A_587, %dma_start3A_595, %dma_start3A_599] : memref<16384x4x128xf32, #tpu.memory_space<hbm>> -> memref<128x1x128xf32, #tpu.memory_space<hbm>>
    %dma_start3A_601 = tpu.memref_squeeze %dma_start3A_600 : memref<128x1x128xf32, #tpu.memory_space<hbm>> -> memref<128x128xf32, #tpu.memory_space<hbm>>
    tpu.enqueue_dma source(%arg15 : memref<128x128xf32, #tpu.memory_space<vmem>>) target(%dma_start3A_601 : memref<128x128xf32, #tpu.memory_space<hbm>>) target_semaphore(%arg22 : memref<!tpu.dma_semaphore, #tpu.memory_space<semaphore_mem>>)
    %dma_start3A_602 = arith.constant 2 : i32
    %dma_start3A_603 = arith.constant 0 : i32
    %dma_start3A_604 = tpu.memref_slice %arg7[%add3A_587, %dma_start3A_602, %dma_start3A_603] : memref<16384x4x128xf32, #tpu.memory_space<hbm>> -> memref<128x1x128xf32, #tpu.memory_space<hbm>>
    %dma_start3A_605 = tpu.memref_squeeze %dma_start3A_604 : memref<128x1x128xf32, #tpu.memory_space<hbm>> -> memref<128x128xf32, #tpu.memory_space<hbm>>
    %dma_start3A_606 = arith.constant 0 : i32
    %dma_start3A_607 = tpu.memref_slice %arg7[%add3A_587, %dma_start3A_602, %dma_start3A_606] : memref<16384x4x128xf32, #tpu.memory_space<hbm>> -> memref<128x1x128xf32, #tpu.memory_space<hbm>>
    %dma_start3A_608 = tpu.memref_squeeze %dma_start3A_607 : memref<128x1x128xf32, #tpu.memory_space<hbm>> -> memref<128x128xf32, #tpu.memory_space<hbm>>
    tpu.enqueue_dma source(%arg17 : memref<128x128xf32, #tpu.memory_space<vmem>>) target(%dma_start3A_608 : memref<128x128xf32, #tpu.memory_space<hbm>>) target_semaphore(%arg22 : memref<!tpu.dma_semaphore, #tpu.memory_space<semaphore_mem>>)
    %dma_start3A_609 = arith.constant 3 : i32
    %dma_start3A_610 = arith.constant 0 : i32
    %dma_start3A_611 = tpu.memref_slice %arg7[%add3A_587, %dma_start3A_609, %dma_start3A_610] : memref<16384x4x128xf32, #tpu.memory_space<hbm>> -> memref<128x1x128xf32, #tpu.memory_space<hbm>>
    %dma_start3A_612 = tpu.memref_squeeze %dma_start3A_611 : memref<128x1x128xf32, #tpu.memory_space<hbm>> -> memref<128x128xf32, #tpu.memory_space<hbm>>
    %dma_start3A_613 = arith.constant 0 : i32
    %dma_start3A_614 = tpu.memref_slice %arg7[%add3A_587, %dma_start3A_609, %dma_start3A_613] : memref<16384x4x128xf32, #tpu.memory_space<hbm>> -> memref<128x1x128xf32, #tpu.memory_space<hbm>>
    %dma_start3A_615 = tpu.memref_squeeze %dma_start3A_614 : memref<128x1x128xf32, #tpu.memory_space<hbm>> -> memref<128x128xf32, #tpu.memory_space<hbm>>
    tpu.enqueue_dma source(%arg19 : memref<128x128xf32, #tpu.memory_space<vmem>>) target(%dma_start3A_615 : memref<128x128xf32, #tpu.memory_space<hbm>>) target_semaphore(%arg24 : memref<!tpu.dma_semaphore, #tpu.memory_space<semaphore_mem>>)
    %dma_wait3A_616 = arith.constant 384 : i32
    %dma_wait3A_617 = tpu.memref_slice %arg8[%dma_wait3A_616] : memref<512xi32, #tpu.memory_space<vmem>> -> memref<128xi32, #tpu.memory_space<vmem>>
    %dma_wait3A_618 = arith.constant 0 : i32
    %dma_wait3A_619 = arith.constant 0 : i32
    %dma_wait3A_620 = tpu.memref_slice %arg12[%dma_wait3A_618, %dma_wait3A_619] : memref<110x128xf32, #tpu.memory_space<vmem_shared>> -> memref<110x128xf32, #tpu.memory_space<vmem_shared>>
    tpu.wait_indirect_dma semaphore(%arg21 : memref<!tpu.dma_semaphore, #tpu.memory_space<semaphore_mem>>) src(%dma_wait3A_620 : memref<110x128xf32, #tpu.memory_space<vmem_shared>>) dst(%arg14 : memref<128x128xf32, #tpu.memory_space<vmem>>)
    %dma_wait3A_621 = arith.constant 384 : i32
    %dma_wait3A_622 = tpu.memref_slice %arg9[%dma_wait3A_621] : memref<512xi32, #tpu.memory_space<vmem>> -> memref<128xi32, #tpu.memory_space<vmem>>
    %dma_wait3A_623 = arith.constant 0 : i32
    %dma_wait3A_624 = arith.constant 0 : i32
    %dma_wait3A_625 = tpu.memref_slice %arg12[%dma_wait3A_623, %dma_wait3A_624] : memref<110x128xf32, #tpu.memory_space<vmem_shared>> -> memref<110x128xf32, #tpu.memory_space<vmem_shared>>
    tpu.wait_indirect_dma semaphore(%arg21 : memref<!tpu.dma_semaphore, #tpu.memory_space<semaphore_mem>>) src(%dma_wait3A_625 : memref<110x128xf32, #tpu.memory_space<vmem_shared>>) dst(%arg16 : memref<128x128xf32, #tpu.memory_space<vmem>>)
    %dma_wait3A_626 = arith.constant 384 : i32
    %dma_wait3A_627 = tpu.memref_slice %arg10[%dma_wait3A_626] : memref<512xi32, #tpu.memory_space<vmem>> -> memref<128xi32, #tpu.memory_space<vmem>>
    %dma_wait3A_628 = arith.constant 0 : i32
    %dma_wait3A_629 = arith.constant 0 : i32
    %dma_wait3A_630 = tpu.memref_slice %arg12[%dma_wait3A_628, %dma_wait3A_629] : memref<110x128xf32, #tpu.memory_space<vmem_shared>> -> memref<110x128xf32, #tpu.memory_space<vmem_shared>>
    tpu.wait_indirect_dma semaphore(%arg21 : memref<!tpu.dma_semaphore, #tpu.memory_space<semaphore_mem>>) src(%dma_wait3A_630 : memref<110x128xf32, #tpu.memory_space<vmem_shared>>) dst(%arg18 : memref<128x128xf32, #tpu.memory_space<vmem>>)
    %add3A_631 = arith.constant 384 : i32
    %add3A_632 = arith.addi %mul3A_2, %add3A_631 : i32
    %dma_start3A_633 = arith.constant 0 : i32
    %dma_start3A_634 = arith.constant 0 : i32
    %dma_start3A_635 = tpu.memref_slice %arg7[%add3A_632, %dma_start3A_633, %dma_start3A_634] : memref<16384x4x128xf32, #tpu.memory_space<hbm>> -> memref<128x1x128xf32, #tpu.memory_space<hbm>>
    %dma_start3A_636 = tpu.memref_squeeze %dma_start3A_635 : memref<128x1x128xf32, #tpu.memory_space<hbm>> -> memref<128x128xf32, #tpu.memory_space<hbm>>
    %dma_start3A_637 = arith.constant 0 : i32
    %dma_start3A_638 = tpu.memref_slice %arg7[%add3A_632, %dma_start3A_633, %dma_start3A_637] : memref<16384x4x128xf32, #tpu.memory_space<hbm>> -> memref<128x1x128xf32, #tpu.memory_space<hbm>>
    %dma_start3A_639 = tpu.memref_squeeze %dma_start3A_638 : memref<128x1x128xf32, #tpu.memory_space<hbm>> -> memref<128x128xf32, #tpu.memory_space<hbm>>
    tpu.enqueue_dma source(%arg14 : memref<128x128xf32, #tpu.memory_space<vmem>>) target(%dma_start3A_639 : memref<128x128xf32, #tpu.memory_space<hbm>>) target_semaphore(%arg23 : memref<!tpu.dma_semaphore, #tpu.memory_space<semaphore_mem>>)
    %dma_start3A_640 = arith.constant 1 : i32
    %dma_start3A_641 = arith.constant 0 : i32
    %dma_start3A_642 = tpu.memref_slice %arg7[%add3A_632, %dma_start3A_640, %dma_start3A_641] : memref<16384x4x128xf32, #tpu.memory_space<hbm>> -> memref<128x1x128xf32, #tpu.memory_space<hbm>>
    %dma_start3A_643 = tpu.memref_squeeze %dma_start3A_642 : memref<128x1x128xf32, #tpu.memory_space<hbm>> -> memref<128x128xf32, #tpu.memory_space<hbm>>
    %dma_start3A_644 = arith.constant 0 : i32
    %dma_start3A_645 = tpu.memref_slice %arg7[%add3A_632, %dma_start3A_640, %dma_start3A_644] : memref<16384x4x128xf32, #tpu.memory_space<hbm>> -> memref<128x1x128xf32, #tpu.memory_space<hbm>>
    %dma_start3A_646 = tpu.memref_squeeze %dma_start3A_645 : memref<128x1x128xf32, #tpu.memory_space<hbm>> -> memref<128x128xf32, #tpu.memory_space<hbm>>
    tpu.enqueue_dma source(%arg16 : memref<128x128xf32, #tpu.memory_space<vmem>>) target(%dma_start3A_646 : memref<128x128xf32, #tpu.memory_space<hbm>>) target_semaphore(%arg23 : memref<!tpu.dma_semaphore, #tpu.memory_space<semaphore_mem>>)
    %dma_start3A_647 = arith.constant 2 : i32
    %dma_start3A_648 = arith.constant 0 : i32
    %dma_start3A_649 = tpu.memref_slice %arg7[%add3A_632, %dma_start3A_647, %dma_start3A_648] : memref<16384x4x128xf32, #tpu.memory_space<hbm>> -> memref<128x1x128xf32, #tpu.memory_space<hbm>>
    %dma_start3A_650 = tpu.memref_squeeze %dma_start3A_649 : memref<128x1x128xf32, #tpu.memory_space<hbm>> -> memref<128x128xf32, #tpu.memory_space<hbm>>
    %dma_start3A_651 = arith.constant 0 : i32
    %dma_start3A_652 = tpu.memref_slice %arg7[%add3A_632, %dma_start3A_647, %dma_start3A_651] : memref<16384x4x128xf32, #tpu.memory_space<hbm>> -> memref<128x1x128xf32, #tpu.memory_space<hbm>>
    %dma_start3A_653 = tpu.memref_squeeze %dma_start3A_652 : memref<128x1x128xf32, #tpu.memory_space<hbm>> -> memref<128x128xf32, #tpu.memory_space<hbm>>
    tpu.enqueue_dma source(%arg18 : memref<128x128xf32, #tpu.memory_space<vmem>>) target(%dma_start3A_653 : memref<128x128xf32, #tpu.memory_space<hbm>>) target_semaphore(%arg23 : memref<!tpu.dma_semaphore, #tpu.memory_space<semaphore_mem>>)
    %dma_start3A_654 = arith.constant 3 : i32
    %dma_start3A_655 = arith.constant 0 : i32
    %dma_start3A_656 = tpu.memref_slice %arg7[%add3A_632, %dma_start3A_654, %dma_start3A_655] : memref<16384x4x128xf32, #tpu.memory_space<hbm>> -> memref<128x1x128xf32, #tpu.memory_space<hbm>>
    %dma_start3A_657 = tpu.memref_squeeze %dma_start3A_656 : memref<128x1x128xf32, #tpu.memory_space<hbm>> -> memref<128x128xf32, #tpu.memory_space<hbm>>
    %dma_start3A_658 = arith.constant 0 : i32
    %dma_start3A_659 = tpu.memref_slice %arg7[%add3A_632, %dma_start3A_654, %dma_start3A_658] : memref<16384x4x128xf32, #tpu.memory_space<hbm>> -> memref<128x1x128xf32, #tpu.memory_space<hbm>>
    %dma_start3A_660 = tpu.memref_squeeze %dma_start3A_659 : memref<128x1x128xf32, #tpu.memory_space<hbm>> -> memref<128x128xf32, #tpu.memory_space<hbm>>
    tpu.enqueue_dma source(%arg19 : memref<128x128xf32, #tpu.memory_space<vmem>>) target(%dma_start3A_660 : memref<128x128xf32, #tpu.memory_space<hbm>>) target_semaphore(%arg24 : memref<!tpu.dma_semaphore, #tpu.memory_space<semaphore_mem>>)
    %dma_wait3A_661 = arith.constant 0 : i32
    %dma_wait3A_662 = arith.constant 0 : i32
    %dma_wait3A_663 = tpu.memref_slice %arg7[%add3A_587, %dma_wait3A_661, %dma_wait3A_662] : memref<16384x4x128xf32, #tpu.memory_space<hbm>> -> memref<128x1x128xf32, #tpu.memory_space<hbm>>
    %dma_wait3A_664 = tpu.memref_squeeze %dma_wait3A_663 : memref<128x1x128xf32, #tpu.memory_space<hbm>> -> memref<128x128xf32, #tpu.memory_space<hbm>>
    %dma_wait3A_665 = arith.constant 0 : i32
    %dma_wait3A_666 = tpu.memref_slice %arg7[%add3A_587, %dma_wait3A_661, %dma_wait3A_665] : memref<16384x4x128xf32, #tpu.memory_space<hbm>> -> memref<128x1x128xf32, #tpu.memory_space<hbm>>
    %dma_wait3A_667 = tpu.memref_squeeze %dma_wait3A_666 : memref<128x1x128xf32, #tpu.memory_space<hbm>> -> memref<128x128xf32, #tpu.memory_space<hbm>>
    tpu.wait_dma2 semaphore(%arg22 : memref<!tpu.dma_semaphore, #tpu.memory_space<semaphore_mem>>) src(%arg13 : memref<128x128xf32, #tpu.memory_space<vmem>>) dst(%dma_wait3A_667 : memref<128x128xf32, #tpu.memory_space<hbm>>)
    %dma_wait3A_668 = arith.constant 1 : i32
    %dma_wait3A_669 = arith.constant 0 : i32
    %dma_wait3A_670 = tpu.memref_slice %arg7[%add3A_587, %dma_wait3A_668, %dma_wait3A_669] : memref<16384x4x128xf32, #tpu.memory_space<hbm>> -> memref<128x1x128xf32, #tpu.memory_space<hbm>>
    %dma_wait3A_671 = tpu.memref_squeeze %dma_wait3A_670 : memref<128x1x128xf32, #tpu.memory_space<hbm>> -> memref<128x128xf32, #tpu.memory_space<hbm>>
    %dma_wait3A_672 = arith.constant 0 : i32
    %dma_wait3A_673 = tpu.memref_slice %arg7[%add3A_587, %dma_wait3A_668, %dma_wait3A_672] : memref<16384x4x128xf32, #tpu.memory_space<hbm>> -> memref<128x1x128xf32, #tpu.memory_space<hbm>>
    %dma_wait3A_674 = tpu.memref_squeeze %dma_wait3A_673 : memref<128x1x128xf32, #tpu.memory_space<hbm>> -> memref<128x128xf32, #tpu.memory_space<hbm>>
    tpu.wait_dma2 semaphore(%arg22 : memref<!tpu.dma_semaphore, #tpu.memory_space<semaphore_mem>>) src(%arg15 : memref<128x128xf32, #tpu.memory_space<vmem>>) dst(%dma_wait3A_674 : memref<128x128xf32, #tpu.memory_space<hbm>>)
    %dma_wait3A_675 = arith.constant 2 : i32
    %dma_wait3A_676 = arith.constant 0 : i32
    %dma_wait3A_677 = tpu.memref_slice %arg7[%add3A_587, %dma_wait3A_675, %dma_wait3A_676] : memref<16384x4x128xf32, #tpu.memory_space<hbm>> -> memref<128x1x128xf32, #tpu.memory_space<hbm>>
    %dma_wait3A_678 = tpu.memref_squeeze %dma_wait3A_677 : memref<128x1x128xf32, #tpu.memory_space<hbm>> -> memref<128x128xf32, #tpu.memory_space<hbm>>
    %dma_wait3A_679 = arith.constant 0 : i32
    %dma_wait3A_680 = tpu.memref_slice %arg7[%add3A_587, %dma_wait3A_675, %dma_wait3A_679] : memref<16384x4x128xf32, #tpu.memory_space<hbm>> -> memref<128x1x128xf32, #tpu.memory_space<hbm>>
    %dma_wait3A_681 = tpu.memref_squeeze %dma_wait3A_680 : memref<128x1x128xf32, #tpu.memory_space<hbm>> -> memref<128x128xf32, #tpu.memory_space<hbm>>
    tpu.wait_dma2 semaphore(%arg22 : memref<!tpu.dma_semaphore, #tpu.memory_space<semaphore_mem>>) src(%arg17 : memref<128x128xf32, #tpu.memory_space<vmem>>) dst(%dma_wait3A_681 : memref<128x128xf32, #tpu.memory_space<hbm>>)
    %dma_wait3A_682 = arith.constant 0 : i32
    %dma_wait3A_683 = arith.constant 0 : i32
    %dma_wait3A_684 = tpu.memref_slice %arg7[%add3A_632, %dma_wait3A_682, %dma_wait3A_683] : memref<16384x4x128xf32, #tpu.memory_space<hbm>> -> memref<128x1x128xf32, #tpu.memory_space<hbm>>
    %dma_wait3A_685 = tpu.memref_squeeze %dma_wait3A_684 : memref<128x1x128xf32, #tpu.memory_space<hbm>> -> memref<128x128xf32, #tpu.memory_space<hbm>>
    %dma_wait3A_686 = arith.constant 0 : i32
    %dma_wait3A_687 = tpu.memref_slice %arg7[%add3A_632, %dma_wait3A_682, %dma_wait3A_686] : memref<16384x4x128xf32, #tpu.memory_space<hbm>> -> memref<128x1x128xf32, #tpu.memory_space<hbm>>
    %dma_wait3A_688 = tpu.memref_squeeze %dma_wait3A_687 : memref<128x1x128xf32, #tpu.memory_space<hbm>> -> memref<128x128xf32, #tpu.memory_space<hbm>>
    tpu.wait_dma2 semaphore(%arg23 : memref<!tpu.dma_semaphore, #tpu.memory_space<semaphore_mem>>) src(%arg14 : memref<128x128xf32, #tpu.memory_space<vmem>>) dst(%dma_wait3A_688 : memref<128x128xf32, #tpu.memory_space<hbm>>)
    %dma_wait3A_689 = arith.constant 1 : i32
    %dma_wait3A_690 = arith.constant 0 : i32
    %dma_wait3A_691 = tpu.memref_slice %arg7[%add3A_632, %dma_wait3A_689, %dma_wait3A_690] : memref<16384x4x128xf32, #tpu.memory_space<hbm>> -> memref<128x1x128xf32, #tpu.memory_space<hbm>>
    %dma_wait3A_692 = tpu.memref_squeeze %dma_wait3A_691 : memref<128x1x128xf32, #tpu.memory_space<hbm>> -> memref<128x128xf32, #tpu.memory_space<hbm>>
    %dma_wait3A_693 = arith.constant 0 : i32
    %dma_wait3A_694 = tpu.memref_slice %arg7[%add3A_632, %dma_wait3A_689, %dma_wait3A_693] : memref<16384x4x128xf32, #tpu.memory_space<hbm>> -> memref<128x1x128xf32, #tpu.memory_space<hbm>>
    %dma_wait3A_695 = tpu.memref_squeeze %dma_wait3A_694 : memref<128x1x128xf32, #tpu.memory_space<hbm>> -> memref<128x128xf32, #tpu.memory_space<hbm>>
    tpu.wait_dma2 semaphore(%arg23 : memref<!tpu.dma_semaphore, #tpu.memory_space<semaphore_mem>>) src(%arg16 : memref<128x128xf32, #tpu.memory_space<vmem>>) dst(%dma_wait3A_695 : memref<128x128xf32, #tpu.memory_space<hbm>>)
    %dma_wait3A_696 = arith.constant 2 : i32
    %dma_wait3A_697 = arith.constant 0 : i32
    %dma_wait3A_698 = tpu.memref_slice %arg7[%add3A_632, %dma_wait3A_696, %dma_wait3A_697] : memref<16384x4x128xf32, #tpu.memory_space<hbm>> -> memref<128x1x128xf32, #tpu.memory_space<hbm>>
    %dma_wait3A_699 = tpu.memref_squeeze %dma_wait3A_698 : memref<128x1x128xf32, #tpu.memory_space<hbm>> -> memref<128x128xf32, #tpu.memory_space<hbm>>
    %dma_wait3A_700 = arith.constant 0 : i32
    %dma_wait3A_701 = tpu.memref_slice %arg7[%add3A_632, %dma_wait3A_696, %dma_wait3A_700] : memref<16384x4x128xf32, #tpu.memory_space<hbm>> -> memref<128x1x128xf32, #tpu.memory_space<hbm>>
    %dma_wait3A_702 = tpu.memref_squeeze %dma_wait3A_701 : memref<128x1x128xf32, #tpu.memory_space<hbm>> -> memref<128x128xf32, #tpu.memory_space<hbm>>
    tpu.wait_dma2 semaphore(%arg23 : memref<!tpu.dma_semaphore, #tpu.memory_space<semaphore_mem>>) src(%arg18 : memref<128x128xf32, #tpu.memory_space<vmem>>) dst(%dma_wait3A_702 : memref<128x128xf32, #tpu.memory_space<hbm>>)
    %dma_wait3A_703 = arith.constant 3 : i32
    %dma_wait3A_704 = arith.constant 0 : i32
    %dma_wait3A_705 = tpu.memref_slice %arg7[%add3A_425, %dma_wait3A_703, %dma_wait3A_704] : memref<16384x4x128xf32, #tpu.memory_space<hbm>> -> memref<128x1x128xf32, #tpu.memory_space<hbm>>
    %dma_wait3A_706 = tpu.memref_squeeze %dma_wait3A_705 : memref<128x1x128xf32, #tpu.memory_space<hbm>> -> memref<128x128xf32, #tpu.memory_space<hbm>>
    %dma_wait3A_707 = arith.constant 0 : i32
    %dma_wait3A_708 = tpu.memref_slice %arg7[%add3A_425, %dma_wait3A_703, %dma_wait3A_707] : memref<16384x4x128xf32, #tpu.memory_space<hbm>> -> memref<128x1x128xf32, #tpu.memory_space<hbm>>
    %dma_wait3A_709 = tpu.memref_squeeze %dma_wait3A_708 : memref<128x1x128xf32, #tpu.memory_space<hbm>> -> memref<128x128xf32, #tpu.memory_space<hbm>>
    tpu.wait_dma2 semaphore(%arg24 : memref<!tpu.dma_semaphore, #tpu.memory_space<semaphore_mem>>) src(%arg19 : memref<128x128xf32, #tpu.memory_space<vmem>>) dst(%dma_wait3A_709 : memref<128x128xf32, #tpu.memory_space<hbm>>)
    %dma_wait3A_710 = arith.constant 3 : i32
    %dma_wait3A_711 = arith.constant 0 : i32
    %dma_wait3A_712 = tpu.memref_slice %arg7[%add3A_506, %dma_wait3A_710, %dma_wait3A_711] : memref<16384x4x128xf32, #tpu.memory_space<hbm>> -> memref<128x1x128xf32, #tpu.memory_space<hbm>>
    %dma_wait3A_713 = tpu.memref_squeeze %dma_wait3A_712 : memref<128x1x128xf32, #tpu.memory_space<hbm>> -> memref<128x128xf32, #tpu.memory_space<hbm>>
    %dma_wait3A_714 = arith.constant 0 : i32
    %dma_wait3A_715 = tpu.memref_slice %arg7[%add3A_506, %dma_wait3A_710, %dma_wait3A_714] : memref<16384x4x128xf32, #tpu.memory_space<hbm>> -> memref<128x1x128xf32, #tpu.memory_space<hbm>>
    %dma_wait3A_716 = tpu.memref_squeeze %dma_wait3A_715 : memref<128x1x128xf32, #tpu.memory_space<hbm>> -> memref<128x128xf32, #tpu.memory_space<hbm>>
    tpu.wait_dma2 semaphore(%arg24 : memref<!tpu.dma_semaphore, #tpu.memory_space<semaphore_mem>>) src(%arg19 : memref<128x128xf32, #tpu.memory_space<vmem>>) dst(%dma_wait3A_716 : memref<128x128xf32, #tpu.memory_space<hbm>>)
    %dma_wait3A_717 = arith.constant 3 : i32
    %dma_wait3A_718 = arith.constant 0 : i32
    %dma_wait3A_719 = tpu.memref_slice %arg7[%add3A_587, %dma_wait3A_717, %dma_wait3A_718] : memref<16384x4x128xf32, #tpu.memory_space<hbm>> -> memref<128x1x128xf32, #tpu.memory_space<hbm>>
    %dma_wait3A_720 = tpu.memref_squeeze %dma_wait3A_719 : memref<128x1x128xf32, #tpu.memory_space<hbm>> -> memref<128x128xf32, #tpu.memory_space<hbm>>
    %dma_wait3A_721 = arith.constant 0 : i32
    %dma_wait3A_722 = tpu.memref_slice %arg7[%add3A_587, %dma_wait3A_717, %dma_wait3A_721] : memref<16384x4x128xf32, #tpu.memory_space<hbm>> -> memref<128x1x128xf32, #tpu.memory_space<hbm>>
    %dma_wait3A_723 = tpu.memref_squeeze %dma_wait3A_722 : memref<128x1x128xf32, #tpu.memory_space<hbm>> -> memref<128x128xf32, #tpu.memory_space<hbm>>
    tpu.wait_dma2 semaphore(%arg24 : memref<!tpu.dma_semaphore, #tpu.memory_space<semaphore_mem>>) src(%arg19 : memref<128x128xf32, #tpu.memory_space<vmem>>) dst(%dma_wait3A_723 : memref<128x128xf32, #tpu.memory_space<hbm>>)
    %dma_wait3A_724 = arith.constant 3 : i32
    %dma_wait3A_725 = arith.constant 0 : i32
    %dma_wait3A_726 = tpu.memref_slice %arg7[%add3A_632, %dma_wait3A_724, %dma_wait3A_725] : memref<16384x4x128xf32, #tpu.memory_space<hbm>> -> memref<128x1x128xf32, #tpu.memory_space<hbm>>
    %dma_wait3A_727 = tpu.memref_squeeze %dma_wait3A_726 : memref<128x1x128xf32, #tpu.memory_space<hbm>> -> memref<128x128xf32, #tpu.memory_space<hbm>>
    %dma_wait3A_728 = arith.constant 0 : i32
    %dma_wait3A_729 = tpu.memref_slice %arg7[%add3A_632, %dma_wait3A_724, %dma_wait3A_728] : memref<16384x4x128xf32, #tpu.memory_space<hbm>> -> memref<128x1x128xf32, #tpu.memory_space<hbm>>
    %dma_wait3A_730 = tpu.memref_squeeze %dma_wait3A_729 : memref<128x1x128xf32, #tpu.memory_space<hbm>> -> memref<128x128xf32, #tpu.memory_space<hbm>>
    tpu.wait_dma2 semaphore(%arg24 : memref<!tpu.dma_semaphore, #tpu.memory_space<semaphore_mem>>) src(%arg19 : memref<128x128xf32, #tpu.memory_space<vmem>>) dst(%dma_wait3A_730 : memref<128x128xf32, #tpu.memory_space<hbm>>)
    return
  }
}

</mosaic_0001>

<sc_bundles>
// kernel: kernel.3.cloned.1.call-start
scs
__scs_entry_jumppad:
0x0: {  	(pc) =	sbr.rel $0x88, $3  }
0x1: {  	(tag) =	ssettag $0x0;
	lr =	simm.s32 $0x1  }
0x2: {  	[smem:$0x3F9C] =	sst lr;
	_ =	strace $0xD0000000  }
0x3: {  	_ = 	snop  }
0x4: {  	_ = 	snop  }
0x5: {  	_ = 	snop  }
0x6: {  	_ = 	snop  }
0x7: {  	_ = 	snop  }
__scs_overlays_trampoline_lowered:
0x8: {  	[smem:$0x3FAB] =	sst s0  }
0x9: {  	[smem:$0x3FAC] =	sst s1  }
0xa: {  	[smem:$0x3FAD] =	sst s2  }
0xb: {  	[smem:$0x3FAE] =	sst s3  }
0xc: {  	[smem:$0x3FAF] =	sst s4  }
0xd: {  	[smem:$0x3FB0] =	sst s5  }
0xe: {  	[smem:$0x3FB1] =	sst s6  }
0xf: {  	[smem:$0x3FB2] =	sst s7  }
0x10: {  	[smem:$0x3FB3] =	sst s8  }
0x11: {  	[smem:$0x3FB4] =	sst s9;
	s0 =	simm.s32 @!p0 $0x0  }
0x12: {  	s1 =	sld [smem:$0x3F9A];
	s0 =	simm.s32 @p0 $0x1  }
0x13: {  	[smem:$0x3FB5] =	sst s0;
	s0 =	simm.s32 @!p1 $0x0  }
0x14: {  	s2 =	sld [smem:$0x3F99];
	s0 =	simm.s32 @p1 $0x1  }
0x15: {  	[smem:$0x3FB6] =	sst s0;
	s0 =	simm.s32 @!p2 $0x0  }
0x16: {  	s3 =	sld [smem:$0x3FDB];
	s0 =	simm.s32 @p2 $0x1  }
0x17: {  	s4 =	simm.s32 $0x1BF5;
	[smem:$0x3FB8] =	sst s0  }
0x18: {  	s0 =	sld [smem:$0x3F9B];
	_ =	swait.ge [sflag:s4], $0x0  }
0x19: {  	s7 =	sld [smem:$0x3F9C]  }
0x1a: {  	s8 =	sadd.s32 $0xFFFFE003, lr  }
0x1b: {  	s9 =	sadd.s32 $0xFFFFFEF7, lr;
	s5 =	simm.s32 $0xFFFFFFFF;
	p2 =	slt.u32 s8, $0xFFFFF086  }
0x1c: {  	p1 =	slt.u32 s9, $0xF7A;
	s5 =	simm.s32 @!p2 $0x0  }
0x1d: {  	s5 =	simm.s32 @p1 $0x1;
	p0 =	seq.s32 s7, s2  }
0x1e: {  	s7 =	smul.u32 @!p0 $0xF7A, s2;
	p2 =	seq.s32 @!p0 s5, $0x0  }
0x1f: {  	s9 =	smul.u32 $0xF7A, s1;
	s8 =	simm.s32 @!p0 $0x1BF5;
	p2 =	por !p2, p0  }
0x20: {  	[sflag:s8] =	ssyncset.s32 @!p0 $0xFFFFF086;
	s6 =	sadd.s32 @!p0 s3, s7;
	s7 =	simm.s32 @!p0 $0x108  }
0x21: {  	s3 =	sadd.s32 s3, s9;
	s6 =	sadd.s32 @!p0 $0x88, s6;
	s7 =	simm.s32 @p2 $0x1082  }
0x22: {  	[simem:s7], [sflag:s8] =	dma.local @!p0 [hbm:s6], $0xF7A  }
0x23: {  	s9 =	sor.u32 $0xD0000000, s2;
	s6 =	simm.s32 $0x108;
	_ =	swait.ge @!p0 [sflag:s8], $0x0  }
0x24: {  	s3 =	sadd.s32 $0x88, s3;
	s6 =	simm.s32 @!p1 $0x1082;
	[sflag:s4] =	ssyncset.s32 $0xFFFFF086  }
0x25: {  	[simem:s6], [sflag:s4] =	dma.local [hbm:s3], $0xF7A  }
0x26: {  	[smem:$0x3F9C] =	sst s1;
	(tag) =	ssettag s2;
	_ =	strace s9  }
0x27: {  	s1 =	sld [smem:$0x3FAC]  }
0x28: {  	s2 =	sld [smem:$0x3FAD]  }
0x29: {  	s4 =	sld [smem:$0x3FAF]  }
0x2a: {  	p0 =	seq.s32 s5, $0x0;
	s5 =	sld [smem:$0x3FB0]  }
0x2b: {  	s6 =	sld [smem:$0x3FB1]  }
0x2c: {  	s7 =	sld [smem:$0x3FB2]  }
0x2d: {  	s3 =	simm.s32 $0x108;
	s8 =	sld [smem:$0x3FB3]  }
0x2e: {  	s3 =	simm.s32 @!p0 $0x1082;
	s9 =	sld [smem:$0x3FB4]  }
0x2f: {  	lr =	sadd.s32 s0, s3;
	s0 =	sld [smem:$0x3FAB]  }
0x30: {  	s3 =	sld [smem:$0x3FAE]  }
0x31: {  	[smem:$0x3FB7] =	sst s10  }
0x32: {  	s10 =	sld [smem:$0x3FB5];
	_ =	sdelay $0x3  }
0x33: {  	p0 =	seq.s32 s10, $0x1;
	s10 =	sld [smem:$0x3FB7];
	_ =	sdelay $0x3  }
0x34: {  	[smem:$0x3FB7] =	sst s10  }
0x35: {  	s10 =	sld [smem:$0x3FB6];
	_ =	sdelay $0x3  }
0x36: {  	p1 =	seq.s32 s10, $0x1;
	s10 =	sld [smem:$0x3FB7];
	_ =	sdelay $0x3  }
0x37: {  	[smem:$0x3FB7] =	sst s10  }
0x38: {  	s10 =	sld [smem:$0x3FB8]  }
0x39: {  	_ = 	snop;
	(pc) =	sbr.ind lr, $3  }
0x3a: {  	_ = 	snop  }
0x3b: {  	_ = 	snop  }
0x3c: {  	p2 =	seq.s32 s10, $0x1;
	s10 =	sld [smem:$0x3FB7]  }
0x3d: {  	_ =	shalt  }
0x3e: {  	_ =	shalt  }
0x3f: {  	_ =	shalt  }
0x40: {  	_ =	shalt  }
0x41: {  	_ =	shalt  }
0x42: {  	_ =	shalt  }
0x43: {  	_ =	shalt  }
0x44: {  	_ =	shalt  }
0x45: {  	_ =	shalt  }
0x46: {  	_ =	shalt  }
0x47: {  	_ =	shalt  }
0x48: {  	_ =	shalt  }
0x49: {  	_ =	shalt  }
0x4a: {  	_ =	shalt  }
0x4b: {  	_ =	shalt  }
0x4c: {  	_ =	shalt  }
0x4d: {  	_ =	shalt  }
0x4e: {  	_ =	shalt  }
0x4f: {  	_ =	shalt  }
0x50: {  	_ =	shalt  }
0x51: {  	_ =	shalt  }
0x52: {  	_ =	shalt  }
0x53: {  	_ =	shalt  }
0x54: {  	_ =	shalt  }
0x55: {  	_ =	shalt  }
0x56: {  	_ =	shalt  }
0x57: {  	_ =	shalt  }
0x58: {  	_ =	shalt  }
0x59: {  	_ =	shalt  }
0x5a: {  	_ =	shalt  }
0x5b: {  	_ =	shalt  }
0x5c: {  	_ =	shalt  }
0x5d: {  	_ =	shalt  }
0x5e: {  	_ =	shalt  }
0x5f: {  	_ =	shalt  }
0x60: {  	_ =	shalt  }
0x61: {  	_ =	shalt  }
0x62: {  	_ =	shalt  }
0x63: {  	_ =	shalt  }
0x64: {  	_ =	shalt  }
0x65: {  	_ =	shalt  }
0x66: {  	_ =	shalt  }
0x67: {  	_ =	shalt  }
0x68: {  	_ =	shalt  }
0x69: {  	_ =	shalt  }
0x6a: {  	_ =	shalt  }
0x6b: {  	_ =	shalt  }
0x6c: {  	_ =	shalt  }
0x6d: {  	_ =	shalt  }
0x6e: {  	_ =	shalt  }
0x6f: {  	_ =	shalt  }
0x70: {  	_ =	shalt  }
0x71: {  	_ =	shalt  }
0x72: {  	_ =	shalt  }
0x73: {  	_ =	shalt  }
0x74: {  	_ =	shalt  }
0x75: {  	_ =	shalt  }
0x76: {  	_ =	shalt  }
0x77: {  	_ =	shalt  }
0x78: {  	_ =	shalt  }
0x79: {  	_ =	shalt  }
0x7a: {  	_ =	shalt  }
0x7b: {  	_ =	shalt  }
0x7c: {  	_ =	shalt  }
0x7d: {  	_ =	shalt  }
0x7e: {  	_ =	shalt  }
0x7f: {  	_ =	shalt  }
0x80: {  	_ =	shalt  }
0x81: {  	_ =	shalt  }
0x82: {  	_ =	shalt  }
0x83: {  	_ =	shalt  }
0x84: {  	_ =	shalt  }
0x85: {  	_ =	shalt  }
0x86: {  	_ =	shalt  }
0x87: {  	_ =	shalt  }
.Lfunc_end0:
.L_simem_size_0:
called_computation_lowered:
.L_overlay_start_0:
0x88: {  	s2 =	sld [smem:$0x3FD9]  }
0x89: {  	s3 =	sld [smem:$0x3FFE];
	_ =	sdelay $0x1  }
0x8a: {  	s1 =	srdreg.scid  }
0x8b: {  	s0 =	sand.u32 $0x1, s1  }
0x8c: {  	s18 =	sshll.u32 s0, $0xA;
	s2 =	sadd.s32 s3, s2  }
0x8d: {  	s2 =	sadd.s32 s2, s18  }
0x8e: {  	[smem:$0x3FC3] =	sst s2  }
0x8f: {  	_ = 	snop  }
0x90: {  	s2 =	sld [smem:$0x3FC9]  }
0x91: {  	s19 =	sld [smem:$0x3FC8]  }
0x92: {  	s4 =	sld [smem:$0x3FC7]  }
0x93: {  	s5 =	sld [smem:$0x3FC6]  }
0x94: {  	s6 =	sld [smem:$0x3FC5]  }
0x95: {  	s7 =	sld [smem:$0x3FD0];
	(tm) =	ssettm $0x1  }
0x96: {  	s8 =	sld [smem:$0x3FFB];
	_ =	sdelay $0x3  }
0x97: {  	_ =	strace s8  }
0x98: {  	s8 =	sld [smem:$0x3FFC];
	_ =	sdelay $0x3  }
0x99: {  	_ =	strace s8  }
0x9a: {  	s8 =	sld [smem:$0x3FFD];
	_ =	sdelay $0x3  }
0x9b: {  	_ =	strace s8  }
0x9c: {  	_ =	strace $0x8FFFFFFF  }
0x9d: {  	s20 =	sld [smem:$0x3FDB];
	_ =	sdelay $0x1  }
0x9e: {  	s9 =	simm.s32 $_scs_section_size  }
0x9f: {  	s10 =	simm.s32 $_size__tile_overlayer_lowered;
	s11 =	simm.s32 $_tile_overlayer_lowered  }
0xa0: {  	s23 =	simm.s32 $0x1BFF;
	s22 =	sshll.u32 s11, $0x1;
	s8 =	sadd.s32 s9, s20  }
0xa1: {  	s12 =	simm.s32 $0x0;
	s21 =	sshll.u32 s10, $0x1;
	s10 =	sadd.s32 s22, s8  }
0xa2: {  	[timem:s12], [sflag:s23] =	dma.local [hbm:s10], s21  }
0xa3: {  	_ =	swait.ge [sflag:s23], s21  }
0xa4: {  	s9 =	ssub.s32 $0x0, s21;
	[sflag:s23] =	ssyncset.done $0x0  }
0xa5: {  	[sflag:s23] =	ssyncadd.s32 s9;
	_ =	sdelay $0x1  }
0xa6: {  	s24 =	simm.s32 $0x1B8B  }
0xa7: {  	_ =	swait.ge [sflag:s24], $0x1  }
0xa8: {  	[sflag:s24] =	ssyncset.done $0x0  }
0xa9: {  	s25 =	simm.s32 $0x1B8E;
	[sflag:s24] =	ssyncadd.s32 $0xFFFFFFFF  }
0xaa: {  	s26 =	simm.s32 $execute0_lowered;
	[smem:$0x3FD2] =	sst s25  }
0xab: {  	s9 =	sshll.u32 s26, $0x1;
	_ =	strace $0x80000046;
	[dreg:$0x1] =	wrdreg $0xFFFFFFFF  }
0xac: {  	s28 =	simm.s32 $_size_execute0_lowered;
	s8 =	sadd.s32 s8, s9;
	[dreg:$0x0] =	wrdreg $0x0  }
0xad: {  	s9 =	sshll.u32 s28, $0x1;
	[dreg:$0x2] =	wrdreg s8  }
0xae: {  	[dreg:$0x3] =	wrdreg s9  }
0xaf: {  	[dreg:$0x4] =	wrdreg $0xC0  }
0xb0: {  	_ =	task [dreg:s12], $0x5FFFF  }
0xb1: {  	[dreg:$0x1] =	wrdreg $0xFFFFFFFF  }
0xb2: {  	[dreg:$0x0] =	wrdreg $0x60  }
0xb3: {  	[dreg:$0x2] =	wrdreg s2  }
0xb4: {  	[dreg:$0x3] =	wrdreg s19  }
0xb5: {  	[dreg:$0x4] =	wrdreg s4  }
0xb6: {  	[dreg:$0x5] =	wrdreg s5  }
0xb7: {  	[dreg:$0x6] =	wrdreg s6  }
0xb8: {  	[dreg:$0x7] =	wrdreg s7  }
0xb9: {  	[dreg:$0x8] =	wrdreg $0x6800  }
0xba: {  	[dreg:$0x9] =	wrdreg $0x9  }
0xbb: {  	_ =	task.clear_ibuf [dreg:s12], $0xAFFFF;
	_ =	strace $0x90000046  }
0xbc: {  	s29 =	simm.s32 $0x9;
	_ =	strace $0x80000048  }
0xbd: {  	_ =	swait.ge [sflag:s29], $0x1  }
0xbe: {  	[sflag:s29] =	ssyncadd.s32 $0xFFFFFFFF  }
0xbf: {  	_ =	strace $0x90000048  }
0xc0: {  	_ =	sfence  }
0xc1: {  	s30 =	sld [smem:$0x0];
	_ =	sdelay $0x2  }
0xc2: {  	s31 =	sshll.u32 s1, $0xD;
	s1 =	sshrl.u32 s1, $0x2  }
0xc3: {  	s3 =	sand.u32 $0x4000, s31;
	s1 =	sadd.s32 s1, s30  }
0xc4: {  	s0 =	sor.u32 s3, s0;
	s1 =	sshll.u32 s1, $0x11  }
0xc5: {  	s0 =	sor.u32 s1, s0  }
0xc6: {  	s0 =	sadd.s32 $0x8F2B, s0  }
0xc7: {  	[sflag:s0] =	ssyncadd.remote.s32 $0x1  }
0xc8: {  	_ =	sfence.sel $0xFFFF  }
0xc9: {  	[dreg:$0x0] =	wrdreg $0xFFFFFFFF;
	(pc) =	sbr.abs _section_cstart, $3  }
0xca: {  	[dreg:$0x1] =	wrdreg $0xFFFFFFFF  }
0xcb: {  	_ =	task.clear_ibuf [dreg:s12], $0x2FFFF;
	_ =	strace $0x9FFFFFFF  }
0xcc: {  	(tm) =	ssettm $0x7FFFFFFF  }
0xcd: {  	_ =	shalt  }
tec
execute0_lowered:
.L_overlay_start_1:
0x0: {  	(tag) =	ssettag $0x1  }
0x1: {  	s4 =	rddreg [dreg:$0x0]  }
0x2: {  	s5 =	rddreg [dreg:$0x1]  }
0x3: {  	s6 =	rddreg [dreg:$0x2]  }
0x4: {  	s0 =	rddreg [dreg:$0x3]  }
0x5: {  	s10 =	rddreg [dreg:$0x4]  }
0x6: {  	s7 =	rddreg [dreg:$0x5]  }
0x7: {  	s1 =	srdreg.scid;
	s2 =	rddreg [dreg:$0x6]  }
0x8: {  	s3 =	simm.s32 $0x0;
	[dreg:$0x8] =	wrdreg s0;
	s0 =	stileid.u32  }
0x9: {  	[dreg:$0x9] =	wrdreg s10;
	s8 =	sand.u32 $0x1, s1;
	s9 =	sshll.u32 s0, $0x1  }
0xa: {  	s31 =	simm.s32 $0x600;
	[smem:$0x7FF] =	sst s3;
	s9 =	sor.u32 s8, s9  }
0xb: {  	s1 =	rddreg [dreg:$0x7];
	_ =	strace $0x80000047;
	s10 =	sshll.u32 s9, $0x6  }
0xc: {  	p0 =	seq.s32 s0, $0x1;
	[dreg:$0x1d] =	wrdreg s31;
	s4 =	sadd.s32 s4, s10  }
0xd: {  	s12 =	sshll.u32 s9, $0xF;
	s11 =	sadd.s32 s5, s10;
	[dreg:$0xa] =	wrdreg s4  }
0xe: {  	s9 =	sadd.s32 $0x3080, s2;
	s6 =	sadd.s32 s6, s10;
	[dreg:$0xb] =	wrdreg s11  }
0xf: {  	s9 =	sshrl.u32 @p0 s9, $0x3;
	s4 =	sadd.s32 s7, s12;
	[dreg:$0xc] =	wrdreg s6  }
0x10: {  	[dreg:$0x1c] =	wrdreg s9;
	s5 =	sadd.s32 $0x10, s4  }
0x11: {  	s13 =	sadd.s32 $0x20, s4;
	[dreg:$0xd] =	wrdreg s5  }
0x12: {  	s14 =	sadd.s32 $0x30, s4;
	[dreg:$0xe] =	wrdreg s13  }
0x13: {  	s28 =	simm.s32 $0x5;
	s15 =	sadd.s32 $0x2000, s4;
	[dreg:$0xf] =	wrdreg s14  }
0x14: {  	s24 =	ssub.s32 $0x2, s8;
	s16 =	sadd.s32 $0x2010, s4;
	[dreg:$0x10] =	wrdreg s15  }
0x15: {  	s26 =	sshrl.u32 s24, $0x1;
	s17 =	sadd.s32 $0x2020, s4;
	[dreg:$0x11] =	wrdreg s16  }
0x16: {  	s8 =	simm.s32 $0x400;
	s18 =	sadd.s32 $0x2030, s4;
	[dreg:$0x12] =	wrdreg s17  }
0x17: {  	p1 =	sne.s32 @!p0 s0, $0x0;
	s19 =	sadd.s32 $0x4000, s4;
	[dreg:$0x13] =	wrdreg s18  }
0x18: {  	p1 =	por p1, p0;
	s20 =	sadd.s32 $0x4010, s4;
	[dreg:$0x14] =	wrdreg s19  }
0x19: {  	s10 =	simm.s32 $0x189F0;
	s21 =	sadd.s32 $0x4020, s4;
	[dreg:$0x15] =	wrdreg s20  }
0x1a: {  	s6 =	ssub.s32 s24, s26;
	s22 =	sadd.s32 $0x4030, s4;
	[dreg:$0x16] =	wrdreg s21  }
0x1b: {  	s7 =	simm.s32 $0x200;
	s23 =	sadd.s32 $0x6000, s4;
	[dreg:$0x17] =	wrdreg s22  }
0x1c: {  	s9 =	simm.s32 $0x80;
	s25 =	sadd.s32 $0x6010, s4;
	[dreg:$0x18] =	wrdreg s23  }
0x1d: {  	s11 =	simm.s32 $0x1;
	s29 =	sadd.s32 $0x6020, s4;
	[dreg:$0x19] =	wrdreg s25  }
0x1e: {  	s12 =	simm.s32 $0x9F0;
	s30 =	sadd.s32 $0x6030, s4;
	[dreg:$0x1a] =	wrdreg s29  }
0x1f: {  	s24 =	simm.s32 $0x180;
	s26 =	simm.s32 $0x580;
	[dreg:$0x1b] =	wrdreg s30  }
0x20: {  	s5 =	smax.u32 s6, $0x1;
	s6 =	simm.s32 $0x6;
	s13 =	simm.s32 $0x89F0  }
0x21: {  	s14 =	simm.s32 $0x109F0;
	s15 =	simm.s32 $0x49F0;
	s16 =	simm.s32 $0x280  }
0x22: {  	s17 =	simm.s32 $0x480;
	s18 =	simm.s32 $0x3;
	s19 =	simm.s32 $0x100  }
0x23: {  	s20 =	simm.s32 $0x300;
	s21 =	simm.s32 $0x500;
	s22 =	simm.s32 $0x2  }
0x24: {  	s23 =	simm.s32 $0x4;
	s25 =	simm.s32 $0x380;
	[dreg:$0x1e] =	wrdreg s16  }
0x25: {  	v0 =	vimm.s32 $0x61;
	s16 =	simm.s32 $0xC9F0;
	[dreg:$0x1f] =	wrdreg s17;
	s17 =	simm.s32 $0x149F0  }
.LBB2_1:
0x26: {  	s29 =	rddreg [dreg:$0xa]  }
0x27: {  	[tilespmem:s3], [sflag:$0x6] =	stream.linear.gather [hbm4b:s29+s3], $0x200, $0x38;
	[tilespmem:$0x1C9F0] =	vst v63  }
0x28: {  	_ =	swait.ge [sflag:s6], $0x200  }
0x29: {  	[sflag:s6] =	ssyncset.done $0x0  }
0x2a: {  	s30 =	rddreg [dreg:$0xb];
	[sflag:s6] =	ssyncadd.s32 $0xFFFFFE00  }
0x2b: {  	[tilespmem:s7], [sflag:$0x6] =	stream.linear.gather [hbm4b:s30+s3], $0x200, $0x38;
	[tilespmem:$0x1C9F0] =	vst v63  }
0x2c: {  	_ =	swait.ge [sflag:s6], $0x200  }
0x2d: {  	[sflag:s6] =	ssyncset.done $0x0  }
0x2e: {  	s31 =	rddreg [dreg:$0xc];
	[sflag:s6] =	ssyncadd.s32 $0xFFFFFE00  }
0x2f: {  	[tilespmem:s8], [sflag:$0x6] =	stream.linear.gather [hbm4b:s31+s3], $0x200, $0x38;
	[tilespmem:$0x1C9F0] =	vst v63  }
0x30: {  	_ =	swait.ge [sflag:s6], $0x200  }
0x31: {  	s29 =	rddreg [dreg:$0x9];
	[sflag:s6] =	ssyncset.done $0x0  }
0x32: {  	s31 =	simm.s32 @p0 $0x1C46;
	s30 =	rddreg [dreg:$0x1c];
	[sflag:s6] =	ssyncadd.s32 $0xFFFFFE00  }
0x33: {  	[spmem:s30], [sflag:s31] =	dma.local @p0 [hbm:s29], $0xD0  }
0x34: {  	s29 =	simm.s32 @p0 $0x6  }
0x35: {  	_ =	swait.ge @p0 [sflag:s29], $0xD0  }
0x36: {  	s31 =	simm.s32 @!p1 $0x1C06;
	[sflag:s29] =	ssyncset.done @p0 $0x0  }
0x37: {  	s30 =	rddreg [dreg:$0x8];
	[sflag:s29] =	ssyncadd.s32 @p0 $0xFFFFFF30;
	s29 =	sshrl.u32 @!p1 s2, $0x3  }
0x38: {  	[spmem:s29], [sflag:s31] =	dma.local @!p1 [hbm:s30], $0x610  }
0x39: {  	s29 =	simm.s32 @!p1 $0x6  }
0x3a: {  	_ =	swait.ge @!p1 [sflag:s29], $0x610  }
0x3b: {  	[sflag:s29] =	ssyncset.done @!p1 $0x0  }
0x3c: {  	[sflag:s29] =	ssyncadd.s32 @!p1 $0xFFFFF9F0  }
0x3d: {  	[tilespmem:$0x600] =	vst v0  }
0x3e: {  	[tilespmem:$0x610] =	vst v0  }
0x3f: {  	v1 =	vld [tilespmem:$0x200];
	[tilespmem:$0x620] =	vst v0  }
0x40: {  	v2 =	vld [tilespmem:$0x210];
	[tilespmem:$0x630] =	vst v0  }
0x41: {  	v3 =	vld [tilespmem:$0x220];
	[tilespmem:$0x640] =	vst v0  }
0x42: {  	v4 =	vld [tilespmem:$0x230];
	[tilespmem:$0x650] =	vst v0  }
0x43: {  	v5 =	vld [tilespmem:$0x240];
	[tilespmem:$0x660] =	vst v0  }
0x44: {  	v6 =	vld [tilespmem:$0x250];
	[tilespmem:$0x670] =	vst v0;
	v1 =	vadd.s32 $0x61, v1  }
0x45: {  	[tilespmem:$0x200] =	vst v1;
	v1 =	vadd.s32 $0x61, v2;
	v2 =	vld [tilespmem:$0x260]  }
0x46: {  	[tilespmem:$0x210] =	vst v1;
	v1 =	vadd.s32 $0x61, v3;
	v3 =	vld [tilespmem:$0x270]  }
0x47: {  	v49 =	vld [tilespmem:$0x280];
	[tilespmem:$0x220] =	vst v1;
	v1 =	vadd.s32 $0x61, v4  }
0x48: {  	v50 =	vld [tilespmem:$0x290];
	[tilespmem:$0x230] =	vst v1;
	v1 =	vadd.s32 $0x61, v5  }
0x49: {  	v51 =	vld [tilespmem:$0x2A0];
	[tilespmem:$0x240] =	vst v1;
	v1 =	vadd.s32 $0x61, v6  }
0x4a: {  	[tilespmem:$0x250] =	vst v1;
	v1 =	vadd.s32 $0x61, v2;
	v2 =	vld [tilespmem:$0x2B0]  }
0x4b: {  	[tilespmem:$0x260] =	vst v1;
	v1 =	vadd.s32 $0x61, v3;
	v3 =	vld [tilespmem:$0x2C0]  }
0x4c: {  	v52 =	vld [tilespmem:$0x2D0];
	[tilespmem:$0x270] =	vst v1;
	v1 =	vadd.s32 $0x61, v49  }
0x4d: {  	v53 =	vld [tilespmem:$0x2E0];
	[tilespmem:$0x280] =	vst v1;
	v1 =	vadd.s32 $0x61, v50  }
0x4e: {  	v54 =	vld [tilespmem:$0x2F0];
	[tilespmem:$0x290] =	vst v1;
	v1 =	vadd.s32 $0x61, v51  }
0x4f: {  	[tilespmem:$0x2A0] =	vst v1;
	v1 =	vadd.s32 $0x61, v2;
	v2 =	vld [tilespmem:$0x300]  }
0x50: {  	[tilespmem:$0x2B0] =	vst v1;
	v1 =	vadd.s32 $0x61, v3;
	v3 =	vld [tilespmem:$0x310]  }
0x51: {  	v55 =	vld [tilespmem:$0x320];
	[tilespmem:$0x2C0] =	vst v1;
	v1 =	vadd.s32 $0x61, v52  }
0x52: {  	v56 =	vld [tilespmem:$0x330];
	[tilespmem:$0x2D0] =	vst v1;
	v1 =	vadd.s32 $0x61, v53  }
0x53: {  	v57 =	vld [tilespmem:$0x340];
	[tilespmem:$0x2E0] =	vst v1;
	v1 =	vadd.s32 $0x61, v54  }
0x54: {  	[tilespmem:$0x2F0] =	vst v1;
	v1 =	vadd.s32 $0x61, v2;
	v2 =	vld [tilespmem:$0x350]  }
0x55: {  	[tilespmem:$0x300] =	vst v1;
	v1 =	vadd.s32 $0x61, v3;
	v3 =	vld [tilespmem:$0x360]  }
0x56: {  	v58 =	vld [tilespmem:$0x370];
	[tilespmem:$0x310] =	vst v1;
	v1 =	vadd.s32 $0x61, v55  }
0x57: {  	v59 =	vld [tilespmem:$0x380];
	[tilespmem:$0x320] =	vst v1;
	v1 =	vadd.s32 $0x61, v56  }
0x58: {  	v60 =	vld [tilespmem:$0x390];
	[tilespmem:$0x330] =	vst v1;
	v1 =	vadd.s32 $0x61, v57  }
0x59: {  	[tilespmem:$0x340] =	vst v1;
	v1 =	vadd.s32 $0x61, v2;
	v2 =	vld [tilespmem:$0x3A0]  }
0x5a: {  	[tilespmem:$0x350] =	vst v1;
	v1 =	vadd.s32 $0x61, v3;
	v3 =	vld [tilespmem:$0x3B0]  }
0x5b: {  	v61 =	vld [tilespmem:$0x3C0];
	[tilespmem:$0x360] =	vst v1;
	v1 =	vadd.s32 $0x61, v58  }
0x5c: {  	v62 =	vld [tilespmem:$0x3D0];
	[tilespmem:$0x370] =	vst v1;
	v1 =	vadd.s32 $0x61, v59  }
0x5d: {  	v63 =	vld [tilespmem:$0x3E0];
	[tilespmem:$0x380] =	vst v1;
	v1 =	vadd.s32 $0x61, v60  }
0x5e: {  	[tilespmem:$0x390] =	vst v1;
	v1 =	vadd.s32 $0x61, v2;
	v2 =	vld [tilespmem:$0x3F0]  }
0x5f: {  	[tilespmem:$0x3A0] =	vst v1;
	v1 =	vadd.s32 $0x61, v3  }
0x60: {  	[tilespmem:$0x3B0] =	vst v1;
	v1 =	vadd.s32 $0x61, v61  }
0x61: {  	[tilespmem:$0x3C0] =	vst v1;
	v1 =	vadd.s32 $0x61, v62  }
0x62: {  	[tilespmem:$0x3D0] =	vst v1;
	v1 =	vadd.s32 $0x61, v63  }
0x63: {  	[tilespmem:$0x3E0] =	vst v1;
	v1 =	vadd.s32 $0x61, v2  }
0x64: {  	[tilespmem:$0x3F0] =	vst v1  }
0x65: {  	[bflag:$0x0] =	sbarrier.arrive $0xFFFF  }
0x66: {  	s30 =	rddreg [dreg:$0x1d]  }
0x67: {  	[tilespmem:s10], [sflag:$0x1] =	stream.indirect.gather [spmem:s2], $0x80, s30, s9, $0xb8;
	[tilespmem:$0x1C9F0] =	vst v63  }
0x68: {  	_ =	swait.ge [sflag:s11], $0x4000  }
0x69: {  	[sflag:s11] =	ssyncset.done $0x0  }
0x6a: {  	[sflag:s11] =	ssyncadd.s32 $0xFFFFC000  }
0x6b: {  	[tilespmem:s12], [sflag:$0x1] =	stream.indirect.gather [spmem:s2], $0x80, s3, s9, $0xb8;
	[tilespmem:$0x1C9F0] =	vst v63  }
0x6c: {  	_ = 	snop  }
0x6d: {  	[tilespmem:s13], [sflag:$0x1] =	stream.indirect.gather [spmem:s2], $0x80, s7, s9, $0xb8;
	[tilespmem:$0x1C9F0] =	vst v63  }
0x6e: {  	_ = 	snop  }
0x6f: {  	[tilespmem:s14], [sflag:$0x1] =	stream.indirect.gather [spmem:s2], $0x80, s8, s9, $0xb8;
	[tilespmem:$0x1C9F0] =	vst v63  }
0x70: {  	_ = 	snop  }
0x71: {  	[tilespmem:s15], [sflag:$0x2] =	stream.indirect.gather [spmem:s2], $0x80, s9, s9, $0xb8;
	[tilespmem:$0x1C9F0] =	vst v63  }
0x72: {  	s29 =	rddreg [dreg:$0x1e]  }
0x73: {  	[tilespmem:s16], [sflag:$0x2] =	stream.indirect.gather [spmem:s2], $0x80, s29, s9, $0xb8;
	[tilespmem:$0x1C9F0] =	vst v63  }
0x74: {  	s31 =	rddreg [dreg:$0x1f]  }
0x75: {  	[tilespmem:s17], [sflag:$0x2] =	stream.indirect.gather [spmem:s2], $0x80, s31, s9, $0xb8;
	[tilespmem:$0x1C9F0] =	vst v63  }
0x76: {  	_ =	swait.ge [sflag:s11], $0x4000  }
0x77: {  	[sflag:s11] =	ssyncset.done $0x0  }
0x78: {  	[sflag:s11] =	ssyncadd.s32 $0xFFFFC000  }
0x79: {  	_ =	swait.ge [sflag:s11], $0x4000  }
0x7a: {  	[sflag:s11] =	ssyncset.done $0x0  }
0x7b: {  	[sflag:s11] =	ssyncadd.s32 $0xFFFFC000  }
0x7c: {  	_ =	swait.ge [sflag:s11], $0x4000  }
0x7d: {  	[sflag:s11] =	ssyncset.done $0x0  }
0x7e: {  	[sflag:s11] =	ssyncadd.s32 $0xFFFFC000  }
0x7f: {  	[hbm4b:s4+s9] =	stream.strided.scatter [tilespmem:s12], [sflag:$0x3], $0x4000, s7, s9, $0x38;
	[tilespmem:$0x1C9F0] =	vst v63  }
0x80: {  	s31 =	rddreg [dreg:$0xd]  }
0x81: {  	[hbm4b:s31+s9] =	stream.strided.scatter [tilespmem:s13], [sflag:$0x3], $0x4000, s7, s9, $0x38;
	[tilespmem:$0x1C9F0] =	vst v63  }
0x82: {  	s30 =	rddreg [dreg:$0xe]  }
0x83: {  	[hbm4b:s30+s9] =	stream.strided.scatter [tilespmem:s14], [sflag:$0x3], $0x4000, s7, s9, $0x38;
	[tilespmem:$0x1C9F0] =	vst v63  }
0x84: {  	s31 =	rddreg [dreg:$0xf]  }
0x85: {  	[hbm4b:s31+s9] =	stream.strided.scatter [tilespmem:s10], [sflag:$0x5], $0x4000, s7, s9, $0x38;
	[tilespmem:$0x1C9F0] =	vst v63  }
0x86: {  	_ =	swait.ge [sflag:s18], $0x4000  }
0x87: {  	[sflag:s18] =	ssyncset.done $0x0  }
0x88: {  	[sflag:s18] =	ssyncadd.s32 $0xFFFFC000  }
0x89: {  	_ =	swait.ge [sflag:s18], $0x4000  }
0x8a: {  	[sflag:s18] =	ssyncset.done $0x0  }
0x8b: {  	[sflag:s18] =	ssyncadd.s32 $0xFFFFC000  }
0x8c: {  	_ =	swait.ge [sflag:s18], $0x4000  }
0x8d: {  	[sflag:s18] =	ssyncset.done $0x0  }
0x8e: {  	[sflag:s18] =	ssyncadd.s32 $0xFFFFC000  }
0x8f: {  	[tilespmem:s12], [sflag:$0x1] =	stream.indirect.gather [spmem:s2], $0x80, s19, s9, $0xb8;
	[tilespmem:$0x1C9F0] =	vst v63  }
0x90: {  	_ = 	snop  }
0x91: {  	[tilespmem:s13], [sflag:$0x1] =	stream.indirect.gather [spmem:s2], $0x80, s20, s9, $0xb8;
	[tilespmem:$0x1C9F0] =	vst v63  }
0x92: {  	_ = 	snop  }
0x93: {  	[tilespmem:s14], [sflag:$0x1] =	stream.indirect.gather [spmem:s2], $0x80, s21, s9, $0xb8;
	[tilespmem:$0x1C9F0] =	vst v63  }
0x94: {  	_ =	swait.ge [sflag:s22], $0x4000  }
0x95: {  	[sflag:s22] =	ssyncset.done $0x0  }
0x96: {  	[sflag:s22] =	ssyncadd.s32 $0xFFFFC000  }
0x97: {  	_ =	swait.ge [sflag:s22], $0x4000  }
0x98: {  	[sflag:s22] =	ssyncset.done $0x0  }
0x99: {  	[sflag:s22] =	ssyncadd.s32 $0xFFFFC000  }
0x9a: {  	_ =	swait.ge [sflag:s22], $0x4000  }
0x9b: {  	[sflag:s22] =	ssyncset.done $0x0  }
0x9c: {  	s29 =	rddreg [dreg:$0x10];
	[sflag:s22] =	ssyncadd.s32 $0xFFFFC000  }
0x9d: {  	[hbm4b:s29+s9] =	stream.strided.scatter [tilespmem:s15], [sflag:$0x4], $0x4000, s7, s9, $0x38;
	[tilespmem:$0x1C9F0] =	vst v63  }
0x9e: {  	s31 =	rddreg [dreg:$0x11]  }
0x9f: {  	[hbm4b:s31+s9] =	stream.strided.scatter [tilespmem:s16], [sflag:$0x4], $0x4000, s7, s9, $0x38;
	[tilespmem:$0x1C9F0] =	vst v63  }
0xa0: {  	s29 =	rddreg [dreg:$0x12]  }
0xa1: {  	[hbm4b:s29+s9] =	stream.strided.scatter [tilespmem:s17], [sflag:$0x4], $0x4000, s7, s9, $0x38;
	[tilespmem:$0x1C9F0] =	vst v63  }
0xa2: {  	s31 =	rddreg [dreg:$0x13]  }
0xa3: {  	[hbm4b:s31+s9] =	stream.strided.scatter [tilespmem:s10], [sflag:$0x5], $0x4000, s7, s9, $0x38;
	[tilespmem:$0x1C9F0] =	vst v63  }
0xa4: {  	_ =	swait.ge [sflag:s23], $0x4000  }
0xa5: {  	[sflag:s23] =	ssyncset.done $0x0  }
0xa6: {  	[sflag:s23] =	ssyncadd.s32 $0xFFFFC000  }
0xa7: {  	_ =	swait.ge [sflag:s23], $0x4000  }
0xa8: {  	[sflag:s23] =	ssyncset.done $0x0  }
0xa9: {  	[sflag:s23] =	ssyncadd.s32 $0xFFFFC000  }
0xaa: {  	_ =	swait.ge [sflag:s23], $0x4000  }
0xab: {  	[sflag:s23] =	ssyncset.done $0x0  }
0xac: {  	[sflag:s23] =	ssyncadd.s32 $0xFFFFC000  }
0xad: {  	[tilespmem:s15], [sflag:$0x2] =	stream.indirect.gather [spmem:s2], $0x80, s24, s9, $0xb8;
	[tilespmem:$0x1C9F0] =	vst v63  }
0xae: {  	_ = 	snop  }
0xaf: {  	[tilespmem:s16], [sflag:$0x2] =	stream.indirect.gather [spmem:s2], $0x80, s25, s9, $0xb8;
	[tilespmem:$0x1C9F0] =	vst v63  }
0xb0: {  	_ = 	snop  }
0xb1: {  	[tilespmem:s17], [sflag:$0x2] =	stream.indirect.gather [spmem:s2], $0x80, s26, s9, $0xb8;
	[tilespmem:$0x1C9F0] =	vst v63  }
0xb2: {  	_ =	swait.ge [sflag:s11], $0x4000  }
0xb3: {  	[sflag:s11] =	ssyncset.done $0x0  }
0xb4: {  	[sflag:s11] =	ssyncadd.s32 $0xFFFFC000  }
0xb5: {  	_ =	swait.ge [sflag:s11], $0x4000  }
0xb6: {  	[sflag:s11] =	ssyncset.done $0x0  }
0xb7: {  	[sflag:s11] =	ssyncadd.s32 $0xFFFFC000  }
0xb8: {  	_ =	swait.ge [sflag:s11], $0x4000  }
0xb9: {  	[sflag:s11] =	ssyncset.done $0x0  }
0xba: {  	s29 =	rddreg [dreg:$0x14];
	[sflag:s11] =	ssyncadd.s32 $0xFFFFC000  }
0xbb: {  	[hbm4b:s29+s9] =	stream.strided.scatter [tilespmem:s12], [sflag:$0x3], $0x4000, s7, s9, $0x38;
	[tilespmem:$0x1C9F0] =	vst v63  }
0xbc: {  	s31 =	rddreg [dreg:$0x15]  }
0xbd: {  	[hbm4b:s31+s9] =	stream.strided.scatter [tilespmem:s13], [sflag:$0x3], $0x4000, s7, s9, $0x38;
	[tilespmem:$0x1C9F0] =	vst v63  }
0xbe: {  	s29 =	rddreg [dreg:$0x16]  }
0xbf: {  	[hbm4b:s29+s9] =	stream.strided.scatter [tilespmem:s14], [sflag:$0x3], $0x4000, s7, s9, $0x38;
	[tilespmem:$0x1C9F0] =	vst v63  }
0xc0: {  	s31 =	rddreg [dreg:$0x17]  }
0xc1: {  	[hbm4b:s31+s9] =	stream.strided.scatter [tilespmem:s10], [sflag:$0x5], $0x4000, s7, s9, $0x38;
	[tilespmem:$0x1C9F0] =	vst v63  }
0xc2: {  	_ =	swait.ge [sflag:s22], $0x4000  }
0xc3: {  	[sflag:s22] =	ssyncset.done $0x0  }
0xc4: {  	[sflag:s22] =	ssyncadd.s32 $0xFFFFC000  }
0xc5: {  	_ =	swait.ge [sflag:s22], $0x4000  }
0xc6: {  	[sflag:s22] =	ssyncset.done $0x0  }
0xc7: {  	[sflag:s22] =	ssyncadd.s32 $0xFFFFC000  }
0xc8: {  	_ =	swait.ge [sflag:s22], $0x4000  }
0xc9: {  	[sflag:s22] =	ssyncset.done $0x0  }
0xca: {  	s29 =	rddreg [dreg:$0x18];
	[sflag:s22] =	ssyncadd.s32 $0xFFFFC000  }
0xcb: {  	[hbm4b:s29+s9] =	stream.strided.scatter [tilespmem:s15], [sflag:$0x4], $0x4000, s7, s9, $0x38;
	[tilespmem:$0x1C9F0] =	vst v63  }
0xcc: {  	s31 =	rddreg [dreg:$0x19]  }
0xcd: {  	[hbm4b:s31+s9] =	stream.strided.scatter [tilespmem:s16], [sflag:$0x4], $0x4000, s7, s9, $0x38;
	[tilespmem:$0x1C9F0] =	vst v63  }
0xce: {  	s29 =	rddreg [dreg:$0x1a]  }
0xcf: {  	[hbm4b:s29+s9] =	stream.strided.scatter [tilespmem:s17], [sflag:$0x4], $0x4000, s7, s9, $0x38;
	[tilespmem:$0x1C9F0] =	vst v63  }
0xd0: {  	s31 =	rddreg [dreg:$0x1b]  }
0xd1: {  	[hbm4b:s31+s9] =	stream.strided.scatter [tilespmem:s10], [sflag:$0x5], $0x4000, s7, s9, $0x38;
	[tilespmem:$0x1C9F0] =	vst v63  }
0xd2: {  	_ =	swait.ge [sflag:s18], $0x4000  }
0xd3: {  	[sflag:s18] =	ssyncset.done $0x0  }
0xd4: {  	[sflag:s18] =	ssyncadd.s32 $0xFFFFC000  }
0xd5: {  	_ =	swait.ge [sflag:s18], $0x4000  }
0xd6: {  	[sflag:s18] =	ssyncset.done $0x0  }
0xd7: {  	[sflag:s18] =	ssyncadd.s32 $0xFFFFC000  }
0xd8: {  	_ =	swait.ge [sflag:s18], $0x4000  }
0xd9: {  	[sflag:s18] =	ssyncset.done $0x0  }
0xda: {  	[sflag:s18] =	ssyncadd.s32 $0xFFFFC000  }
0xdb: {  	_ =	swait.ge [sflag:s23], $0x4000  }
0xdc: {  	[sflag:s23] =	ssyncset.done $0x0  }
0xdd: {  	[sflag:s23] =	ssyncadd.s32 $0xFFFFC000  }
0xde: {  	_ =	swait.ge [sflag:s23], $0x4000  }
0xdf: {  	[sflag:s23] =	ssyncset.done $0x0  }
0xe0: {  	[sflag:s23] =	ssyncadd.s32 $0xFFFFC000  }
0xe1: {  	_ =	swait.ge [sflag:s23], $0x4000  }
0xe2: {  	[sflag:s23] =	ssyncset.done $0x0  }
0xe3: {  	[sflag:s23] =	ssyncadd.s32 $0xFFFFC000  }
0xe4: {  	_ =	swait.ge [sflag:s28], $0x4000  }
0xe5: {  	[sflag:s28] =	ssyncset.done $0x0  }
0xe6: {  	[sflag:s28] =	ssyncadd.s32 $0xFFFFC000  }
0xe7: {  	_ =	swait.ge [sflag:s28], $0x4000  }
0xe8: {  	[sflag:s28] =	ssyncset.done $0x0  }
0xe9: {  	s5 =	sadd.s32 $0xFFFFFFFF, s5;
	[sflag:s28] =	ssyncadd.s32 $0xFFFFC000  }
0xea: {  	p2 =	sne.s32 s5, $0x0;
	_ =	swait.ge [sflag:s28], $0x4000  }
.Ltmp0:
0xeb: {  	[sflag:s28] =	ssyncset.done $0x0;
	(pc) =	sbr.rel @p2 .LBB2_1-.Ltmp0, $4  }
0xec: {  	[sflag:s28] =	ssyncadd.s32 $0xFFFFC000  }
0xed: {  	_ =	swait.ge [sflag:s28], $0x4000  }
0xee: {  	[sflag:s28] =	ssyncset.done $0x0  }
0xef: {  	[sflag:s28] =	ssyncadd.s32 $0xFFFFC000  }
0xf0: {  	_ =	sfence.sel $0x180000  }
0xf1: {  	[bflag:$0x0] =	sbarrier.arrive $0xFFFF  }
0xf2: {  	p0 =	sne.s32 s0, $0x0;
	_ =	strace $0x90000047  }
0xf3: {  	s0 =	sadd.s32 @!p0 $0x100000, s1;
	[bflag:$0x2] =	sbarrier.arrive $0xFFFF  }
0xf4: {  	[sflag:s0] =	ssyncadd.tile.s32 @!p0 $0x1;
	_ =	shalt  }
.Lfunc_end2:
_tile_overlayer_lowered:
.L_overlay_start_2:
0xf5: {  	(tag) =	ssettag $0x2  }
0xf6: {  	s0 =	rddreg [dreg:$0x0];
	s2 =	stileid.u32  }
0xf7: {  	s1 =	rddreg [dreg:$0x1];
	p0 =	sne.s32 s2, $0x0  }
0xf8: {  	s3 =	rddreg [dreg:$0x2];
	[bflag:$0x3] =	sbarrier.arrive $0xFFFF;
	s2 =	simm.s32 @!p0 $0x1C06  }
0xf9: {  	[timem:s3], [sflag:s2] =	dma.local @!p0 [hbm:s0], s1  }
0xfa: {  	s0 =	simm.s32 @!p0 $0x6  }
0xfb: {  	_ =	swait.ge @!p0 [sflag:s0], s1  }
0xfc: {  	s1 =	ssub.s32 @!p0 $0x0, s1;
	[sflag:s0] =	ssyncset.done @!p0 $0x0  }
0xfd: {  	[sflag:s0] =	ssyncadd.s32 @!p0 s1  }
0xfe: {  	[bflag:$0x3] =	sbarrier.arrive $0xFFFF  }
0xff: {  	_ =	shalt  }

</sc_bundles>
